<compile_context>
chip_gen: v7x
topology: tpu7x:2x2x1
jax: 0.10.2.dev20260603
libtpu: 0.0.44.dev20260713+nightly
codegen_flags: <defaults>
</compile_context>

<pallas_src>
import functools

import jax
import jax.numpy as jnp
from jax import lax
from jax.experimental import pallas as pl
from jax.experimental.pallas import tpu as pltpu
from jax.experimental.pallas import tpu_sc as plsc

B, N, E = 4, 10000, 160000
D_IN, D_H = 128, 64
D_CAT = D_IN + D_H
D_G = 2 * D_H

NC, NS = 2, 16
BPC = B // NC
EPW = E // NS
C = 128
NCH = -(-EPW // C)
EPWP = NCH * C
NP = N + 16
RQ = 624
CQ = RQ // 3
TAIL = N - NS * RQ

_f32 = jnp.float32

_R = 1000
_NB = N // _R
_GRID = (B * N) // _R


def _mm_gate_body(x_ref, s_ref, w_ref, o_ref):
    o_ref[...] = (
        jnp.dot(x_ref[...], w_ref[:D_IN, :], preferred_element_type=_f32)
        + jnp.dot(s_ref[...], w_ref[D_IN:, :], preferred_element_type=_f32)
    )


def _tc_gate_proj(xf, sf, W_gate):
    return pl.pallas_call(
        _mm_gate_body,
        grid=(_GRID,),
        in_specs=[
            pl.BlockSpec((_R, D_IN), lambda i: (i, 0)),
            pl.BlockSpec((_R, D_H), lambda i: (i, 0)),
            pl.BlockSpec((D_CAT, D_G), lambda i: (0, 0)),
        ],
        out_specs=pl.BlockSpec((_R, D_G), lambda i: (i, 0)),
        out_shape=jax.ShapeDtypeStruct((B * N, D_G), _f32),
    )(xf, sf, W_gate)


def _gate_update_body(x_ref, s_ref, a_ref, d_ref, w_ref, bg_ref,
                      t2_ref, r_ref):
    rdeg = 1.0 / jnp.maximum(d_ref[:, 0:1], 1.0)
    halves_t2 = []
    halves_r = []
    for k in range(BPC):
        ur = jax.nn.sigmoid(a_ref[0, k] * rdeg + bg_ref[...])
        u = ur[:, :D_H]
        halves_r.append(ur[:, D_H:])
        halves_t2.append(
            jnp.dot(x_ref[0, k], w_ref[:D_IN, :],
                    preferred_element_type=_f32)
            + jnp.dot(u * s_ref[0, k], w_ref[D_IN:, :],
                      preferred_element_type=_f32)
        )
    t2_ref[0] = jnp.concatenate(halves_t2, axis=-1)
    r_ref[0] = jnp.concatenate(halves_r, axis=-1)


def _tc_gate_update(x4, s4, agg1, deg, W_update, b_gate):
    return pl.pallas_call(
        _gate_update_body,
        grid=(NC * _NB,),
        in_specs=[
            pl.BlockSpec((1, BPC, _R, D_IN),
                         lambda i: (i // _NB, 0, i % _NB, 0)),
            pl.BlockSpec((1, BPC, _R, D_H),
                         lambda i: (i // _NB, 0, i % _NB, 0)),
            pl.BlockSpec((1, BPC, _R, D_G),
                         lambda i: (i // _NB, 0, i % _NB, 0)),
            pl.BlockSpec((_R, 16), lambda i: (i % _NB, 0)),
            pl.BlockSpec((D_CAT, D_H), lambda i: (0, 0)),
            pl.BlockSpec((1, D_G), lambda i: (0, 0)),
        ],
        out_specs=[
            pl.BlockSpec((1, _R, BPC * D_H),
                         lambda i: (i // _NB, i % _NB, 0)),
            pl.BlockSpec((1, _R, BPC * D_H),
                         lambda i: (i // _NB, i % _NB, 0)),
        ],
        out_shape=[
            jax.ShapeDtypeStruct((NC, N, BPC * D_H), _f32),
            jax.ShapeDtypeStruct((NC, N, BPC * D_H), _f32),
        ],
    )(x4, s4, agg1, deg, W_update, b_gate)


def _mix_body(a2_ref, r_ref, s_ref, d_ref, bu_ref, o_ref):
    rdeg = 1.0 / jnp.maximum(d_ref[:, 0:1], 1.0)
    for k in range(BPC):
        hc = jnp.tanh(a2_ref[0][:, k * D_H:(k + 1) * D_H] * rdeg
                      + bu_ref[...])
        r = r_ref[0][:, k * D_H:(k + 1) * D_H]
        o_ref[0, k] = r * s_ref[0, k] + (1.0 - r) * hc


def _tc_mix(agg2, rp, s4, deg, b_update):
    return pl.pallas_call(
        _mix_body,
        grid=(NC * _NB,),
        in_specs=[
            pl.BlockSpec((1, _R, BPC * D_H),
                         lambda i: (i // _NB, i % _NB, 0)),
            pl.BlockSpec((1, _R, BPC * D_H),
                         lambda i: (i // _NB, i % _NB, 0)),
            pl.BlockSpec((1, BPC, _R, D_H),
                         lambda i: (i // _NB, 0, i % _NB, 0)),
            pl.BlockSpec((_R, 16), lambda i: (i % _NB, 0)),
            pl.BlockSpec((1, D_H), lambda i: (0, 0)),
        ],
        out_specs=pl.BlockSpec((1, BPC, _R, D_H),
                               lambda i: (i // _NB, 0, i % _NB, 0)),
        out_shape=jax.ShapeDtypeStruct((NC, BPC, N, D_H), _f32),
    )(agg2, rp, s4, deg, b_update)


_MESH = plsc.VectorSubcoreMesh(core_axis_name="c", subcore_axis_name="s")


def _sc_pass2(t2, src2, dstp, z):

    @functools.partial(
        pl.kernel,
        out_type=jax.ShapeDtypeStruct((NC * N, D_G), _f32),
        mesh=_MESH,
        scratch_types=[
            pltpu.VMEM_SHARED((NP, D_G), _f32),
            pltpu.VMEM((C,), jnp.int32),
            pltpu.VMEM((C,), jnp.int32),
            pltpu.VMEM((C, D_G), _f32),
            pltpu.SemaphoreType.DMA,
        ],
    )
    def k(t2_h, src_h, dst_h, z_h, agg_out, acc, srcl, dstl, buf, sem):
        c = lax.axis_index("c")
        s = lax.axis_index("s")
        last = s == NS - 1
        row0 = s * RQ
        dbase = s * EPWP
        sbase = c * (NS * EPWP) + dbase
        for j in range(3):
            pltpu.sync_copy(z_h.at[pl.ds(j * CQ, CQ)],
                            acc.at[pl.ds(row0 + j * CQ, CQ)])

        @pl.when(last)
        def _():
            pltpu.sync_copy(z_h.at[pl.ds(0, TAIL)],
                            acc.at[pl.ds(N - TAIL, TAIL)])
        plsc.subcore_barrier()

        @pl.loop(0, NCH)
        def _step(g):
            pltpu.sync_copy(src_h.at[pl.ds(sbase + g * C, C)], srcl)
            pltpu.sync_copy(dst_h.at[pl.ds(dbase + g * C, C)], dstl)
            pltpu.async_copy(t2_h.at[srcl], buf, sem).wait()
            pltpu.async_copy(buf, acc.at[dstl], sem, add=True).wait()

        plsc.subcore_barrier()
        for j in range(3):
            pltpu.sync_copy(
                acc.at[pl.ds(row0 + j * CQ, CQ)],
                agg_out.at[pl.ds(c * N + row0 + j * CQ, CQ)])

        @pl.when(last)
        def _():
            pltpu.sync_copy(acc.at[pl.ds(N - TAIL, TAIL)],
                            agg_out.at[pl.ds(c * N + N - TAIL, TAIL)])

    return k(t2, src2, dstp, z)


def kernel(x, state, edge_index, W_gate, b_gate, W_update, b_update):
    xf = x.reshape(B * N, D_IN)
    sf = state.reshape(B * N, D_H)
    x4 = x.reshape(NC, BPC, N, D_IN)
    s4 = state.reshape(NC, BPC, N, D_H)

    pad = EPWP - EPW
    src_t = edge_index[0].reshape(NS, EPW)
    dst_t = edge_index[1].reshape(NS, EPW)
    src_p = jnp.pad(src_t, ((0, 0), (0, pad)))
    dstp = jnp.pad(dst_t, ((0, 0), (0, pad)), constant_values=N).reshape(-1)
    boff = (jnp.arange(B, dtype=jnp.int32) * N)[:, None, None]
    coff = (jnp.arange(NC, dtype=jnp.int32) * N)[:, None, None]
    src2 = (src_p[None] + coff).reshape(-1)
    src2b = (src_p[None] + coff + NC * N).reshape(-1)
    del boff

    z = jnp.zeros((RQ, D_G), _f32)

    t1 = _tc_gate_proj(xf, sf, W_gate)
    aggA = _sc_pass2(t1, src2, dstp, z)
    aggB = _sc_pass2(t1, src2b, dstp, z)
    agg1 = jnp.concatenate([aggA, aggB], axis=0).reshape(NC, BPC, N, D_G)
    deg1 = jnp.bincount(edge_index[1], length=N).astype(_f32)
    deg = jnp.broadcast_to(deg1[:, None], (N, 16))
    t2p, rp = _tc_gate_update(x4, s4, agg1, deg,
                              W_update, b_gate.reshape(1, D_G))
    agg2 = _sc_pass2(t2p.reshape(NC * N, D_G), src2, dstp, z)
    agg2 = agg2.reshape(NC, N, D_G)
    h4 = _tc_mix(agg2, rp, s4, deg, b_update.reshape(1, D_H))
    return h4.reshape(B, N, D_H)

# --- scband reference (transcript-rebuilt; emitter-appended) ---
"""Pipeline reference for scband-gcgrucell-16209206575801 (READ-ONLY COPY).

The authoritative reference and input builder live on the scoring server;
editing this copy changes nothing except your own understanding.
"""

import jax, jax.numpy as jnp
import numpy as np

B, N, E = 4, 10000, 160000
D_IN, D_H = 128, 64


def setup_inputs(seed: int = 0) -> dict:
    key = jax.random.key(seed)
    k1, k2, k3, k4, k5 = jax.random.split(key, 5)
    x = jax.random.normal(k1, (B, N, D_IN), dtype=jnp.float32)
    state = jax.random.normal(k2, (B, N, D_H), dtype=jnp.float32)
    edge_index = jax.random.randint(k3, (2, E), 0, N, dtype=jnp.int32)
    # gate graph-conv params: in = D_IN + D_H, out = 2 * D_H
    W_gate = jax.random.normal(k4, (D_IN + D_H, 2 * D_H), dtype=jnp.float32) * 0.05
    b_gate = jnp.zeros((2 * D_H,), dtype=jnp.float32)
    # update graph-conv params: in = D_IN + D_H, out = D_H
    W_update = jax.random.normal(k5, (D_IN + D_H, D_H), dtype=jnp.float32) * 0.05
    b_update = jnp.zeros((D_H,), dtype=jnp.float32)
    return {"x": x, "state": state, "edge_index": edge_index,
            "W_gate": W_gate, "b_gate": b_gate,
            "W_update": W_update, "b_update": b_update}


def _graph_conv(h, edge_index, W, b):
    # f(A, H) = D^-1 A H, then linear projection: mean aggregation over incoming edges
    src = edge_index[0]
    dst = edge_index[1]
    msgs = h[:, src, :]                                   # gather: [B, E, D]
    agg = jnp.zeros((h.shape[0], N, h.shape[-1]), dtype=h.dtype)
    agg = agg.at[:, dst, :].add(msgs)                     # scatter-add over dst
    deg = jnp.bincount(dst, length=N).astype(h.dtype)
    deg = jnp.clip(deg, 1.0, None)
    agg = agg / deg[None, :, None]
    return agg @ W + b


def reference(x, state, edge_index, W_gate, b_gate, W_update, b_update):
    # u/r = sigmoid(W_ur(f(A, [X, state])) + b)
    input_and_state = jnp.concatenate([x, state], axis=-1)
    u_r = jax.nn.sigmoid(_graph_conv(input_and_state, edge_index, W_gate, b_gate))
    u, r = jnp.split(u_r, 2, axis=-1)
    # c = tanh(W_c(f(A, [X, u * state])) + b)   (module uses u inside candidate)
    candidate = jnp.concatenate([x, u * state], axis=-1)
    hc = jnp.tanh(_graph_conv(candidate, edge_index, W_update, b_update))
    # out = r * state + (1 - r) * c             (module uses r in the mix)
    h = r * state + (1.0 - r) * hc
    return h

if __name__ == "__main__":
    import jax
    _d = setup_inputs()
    print(jax.jit(kernel)(*tuple(_d.values())))

</pallas_src>

<mosaic_0001>
#map = affine_map<(d0, d1) -> (0, 0)>
#map1 = affine_map<(d0, d1) -> (0)>
module attributes {stable_mosaic.version = 14 : i64} {
  func.func @k(%arg0: i32, %arg1: i32, %arg2: memref<40000x128xf32, #tpu.memory_space<hbm>>, %arg3: memref<323584xi32, #tpu.memory_space<hbm>>, %arg4: memref<161792xi32, #tpu.memory_space<hbm>>, %arg5: memref<624x128xf32, #tpu.memory_space<hbm>>, %arg6: memref<20000x128xf32, #tpu.memory_space<hbm>>, %arg7: memref<10016x128xf32, #tpu.memory_space<vmem_shared>>, %arg8: memref<128xi32, #tpu.memory_space<vmem>>, %arg9: memref<128xi32, #tpu.memory_space<vmem>>, %arg10: memref<128x128xf32, #tpu.memory_space<vmem>>, %arg11: memref<!tpu.dma_semaphore, #tpu.memory_space<semaphore_mem>>) attributes {dimension_semantics = [#tpu.dimension_semantics<core_parallel>, #tpu.dimension_semantics<subcore_parallel>], iteration_bounds = array<i64: 2, 16>, scalar_prefetch = 0 : i64, scratch_operands = 5 : i64, tpu.core_type = #tpu.core_type<sc_vector_subcore>, window_params = [{transform_indices = #map}, {transform_indices = #map1}, {transform_indices = #map1}, {transform_indices = #map}, {transform_indices = #map}]} {
    %eq3A = arith.constant 15 : i32
    %eq3A_0 = arith.cmpi eq, %arg1, %eq3A : i32
    %mul3A = arith.constant 624 : i32
    %mul3A_1 = arith.muli %arg1, %mul3A : i32
    %mul3A_2 = arith.constant 10112 : i32
    %mul3A_3 = arith.muli %arg1, %mul3A_2 : i32
    %mul3A_4 = arith.constant 161792 : i32
    %mul3A_5 = arith.muli %arg0, %mul3A_4 : i32
    %add3A = arith.addi %mul3A_5, %mul3A_3 : i32
    %add3A_6 = arith.constant 0 : i32
    %add3A_7 = arith.addi %mul3A_1, %add3A_6 : i32
    "tpu.region"() ({
      %run_scoped3A = tpu.sem_alloc : memref<!tpu.dma_semaphore, #tpu.memory_space<semaphore_mem>>
      %dma_start3A = arith.constant 0 : i32
      %dma_start3A_42 = tpu.memref_slice %arg7[%add3A_7, %dma_start3A] : memref<10016x128xf32, #tpu.memory_space<vmem_shared>> -> memref<208x128xf32, #tpu.memory_space<vmem_shared>>
      %dma_start3A_43 = arith.constant 0 : i32
      %dma_start3A_44 = arith.constant 0 : i32
      %dma_start3A_45 = tpu.memref_slice %arg5[%dma_start3A_43, %dma_start3A_44] : memref<624x128xf32, #tpu.memory_space<hbm>> -> memref<208x128xf32, #tpu.memory_space<hbm>>
      tpu.enqueue_dma source(%dma_start3A_45 : memref<208x128xf32, #tpu.memory_space<hbm>>) target(%dma_start3A_42 : memref<208x128xf32, #tpu.memory_space<vmem_shared>>) target_semaphore(%run_scoped3A : memref<!tpu.dma_semaphore, #tpu.memory_space<semaphore_mem>>)
      %dma_wait3A = arith.constant 0 : i32
      %dma_wait3A_46 = tpu.memref_slice %arg7[%add3A_7, %dma_wait3A] : memref<10016x128xf32, #tpu.memory_space<vmem_shared>> -> memref<208x128xf32, #tpu.memory_space<vmem_shared>>
      %dma_wait3A_47 = arith.constant 0 : i32
      %dma_wait3A_48 = arith.constant 0 : i32
      %dma_wait3A_49 = tpu.memref_slice %arg5[%dma_wait3A_47, %dma_wait3A_48] : memref<624x128xf32, #tpu.memory_space<hbm>> -> memref<208x128xf32, #tpu.memory_space<hbm>>
      tpu.wait_dma2 semaphore(%run_scoped3A : memref<!tpu.dma_semaphore, #tpu.memory_space<semaphore_mem>>) src(%dma_wait3A_49 : memref<208x128xf32, #tpu.memory_space<hbm>>) dst(%dma_wait3A_46 : memref<208x128xf32, #tpu.memory_space<vmem_shared>>)
      tpu.yield
    }) : () -> ()
    %add3A_8 = arith.constant 208 : i32
    %add3A_9 = arith.addi %mul3A_1, %add3A_8 : i32
    "tpu.region"() ({
      %run_scoped3A = tpu.sem_alloc : memref<!tpu.dma_semaphore, #tpu.memory_space<semaphore_mem>>
      %dma_start3A = arith.constant 0 : i32
      %dma_start3A_42 = tpu.memref_slice %arg7[%add3A_9, %dma_start3A] : memref<10016x128xf32, #tpu.memory_space<vmem_shared>> -> memref<208x128xf32, #tpu.memory_space<vmem_shared>>
      %dma_start3A_43 = arith.constant 208 : i32
      %dma_start3A_44 = arith.constant 0 : i32
      %dma_start3A_45 = tpu.memref_slice %arg5[%dma_start3A_43, %dma_start3A_44] : memref<624x128xf32, #tpu.memory_space<hbm>> -> memref<208x128xf32, #tpu.memory_space<hbm>>
      tpu.enqueue_dma source(%dma_start3A_45 : memref<208x128xf32, #tpu.memory_space<hbm>>) target(%dma_start3A_42 : memref<208x128xf32, #tpu.memory_space<vmem_shared>>) target_semaphore(%run_scoped3A : memref<!tpu.dma_semaphore, #tpu.memory_space<semaphore_mem>>)
      %dma_wait3A = arith.constant 0 : i32
      %dma_wait3A_46 = tpu.memref_slice %arg7[%add3A_9, %dma_wait3A] : memref<10016x128xf32, #tpu.memory_space<vmem_shared>> -> memref<208x128xf32, #tpu.memory_space<vmem_shared>>
      %dma_wait3A_47 = arith.constant 208 : i32
      %dma_wait3A_48 = arith.constant 0 : i32
      %dma_wait3A_49 = tpu.memref_slice %arg5[%dma_wait3A_47, %dma_wait3A_48] : memref<624x128xf32, #tpu.memory_space<hbm>> -> memref<208x128xf32, #tpu.memory_space<hbm>>
      tpu.wait_dma2 semaphore(%run_scoped3A : memref<!tpu.dma_semaphore, #tpu.memory_space<semaphore_mem>>) src(%dma_wait3A_49 : memref<208x128xf32, #tpu.memory_space<hbm>>) dst(%dma_wait3A_46 : memref<208x128xf32, #tpu.memory_space<vmem_shared>>)
      tpu.yield
    }) : () -> ()
    %add3A_10 = arith.constant 416 : i32
    %add3A_11 = arith.addi %mul3A_1, %add3A_10 : i32
    "tpu.region"() ({
      %run_scoped3A = tpu.sem_alloc : memref<!tpu.dma_semaphore, #tpu.memory_space<semaphore_mem>>
      %dma_start3A = arith.constant 0 : i32
      %dma_start3A_42 = tpu.memref_slice %arg7[%add3A_11, %dma_start3A] : memref<10016x128xf32, #tpu.memory_space<vmem_shared>> -> memref<208x128xf32, #tpu.memory_space<vmem_shared>>
      %dma_start3A_43 = arith.constant 416 : i32
      %dma_start3A_44 = arith.constant 0 : i32
      %dma_start3A_45 = tpu.memref_slice %arg5[%dma_start3A_43, %dma_start3A_44] : memref<624x128xf32, #tpu.memory_space<hbm>> -> memref<208x128xf32, #tpu.memory_space<hbm>>
      tpu.enqueue_dma source(%dma_start3A_45 : memref<208x128xf32, #tpu.memory_space<hbm>>) target(%dma_start3A_42 : memref<208x128xf32, #tpu.memory_space<vmem_shared>>) target_semaphore(%run_scoped3A : memref<!tpu.dma_semaphore, #tpu.memory_space<semaphore_mem>>)
      %dma_wait3A = arith.constant 0 : i32
      %dma_wait3A_46 = tpu.memref_slice %arg7[%add3A_11, %dma_wait3A] : memref<10016x128xf32, #tpu.memory_space<vmem_shared>> -> memref<208x128xf32, #tpu.memory_space<vmem_shared>>
      %dma_wait3A_47 = arith.constant 416 : i32
      %dma_wait3A_48 = arith.constant 0 : i32
      %dma_wait3A_49 = tpu.memref_slice %arg5[%dma_wait3A_47, %dma_wait3A_48] : memref<624x128xf32, #tpu.memory_space<hbm>> -> memref<208x128xf32, #tpu.memory_space<hbm>>
      tpu.wait_dma2 semaphore(%run_scoped3A : memref<!tpu.dma_semaphore, #tpu.memory_space<semaphore_mem>>) src(%dma_wait3A_49 : memref<208x128xf32, #tpu.memory_space<hbm>>) dst(%dma_wait3A_46 : memref<208x128xf32, #tpu.memory_space<vmem_shared>>)
      tpu.yield
    }) : () -> ()
    %convert_element_type3A = arith.extui %eq3A_0 : i1 to i32
    %cond3A = arith.constant 0 : i32
    %cond3A_12 = arith.cmpi ne, %convert_element_type3A, %cond3A : i32
    scf.if %cond3A_12 {
      "tpu.region"() ({
        %run_scoped3A = tpu.sem_alloc : memref<!tpu.dma_semaphore, #tpu.memory_space<semaphore_mem>>
        %dma_start3A = arith.constant 9984 : i32
        %dma_start3A_42 = arith.constant 0 : i32
        %dma_start3A_43 = tpu.memref_slice %arg7[%dma_start3A, %dma_start3A_42] : memref<10016x128xf32, #tpu.memory_space<vmem_shared>> -> memref<16x128xf32, #tpu.memory_space<vmem_shared>>
        %dma_start3A_44 = arith.constant 0 : i32
        %dma_start3A_45 = arith.constant 0 : i32
        %dma_start3A_46 = tpu.memref_slice %arg5[%dma_start3A_44, %dma_start3A_45] : memref<624x128xf32, #tpu.memory_space<hbm>> -> memref<16x128xf32, #tpu.memory_space<hbm>>
        tpu.enqueue_dma source(%dma_start3A_46 : memref<16x128xf32, #tpu.memory_space<hbm>>) target(%dma_start3A_43 : memref<16x128xf32, #tpu.memory_space<vmem_shared>>) target_semaphore(%run_scoped3A : memref<!tpu.dma_semaphore, #tpu.memory_space<semaphore_mem>>)
        %dma_wait3A = arith.constant 9984 : i32
        %dma_wait3A_47 = arith.constant 0 : i32
        %dma_wait3A_48 = tpu.memref_slice %arg7[%dma_wait3A, %dma_wait3A_47] : memref<10016x128xf32, #tpu.memory_space<vmem_shared>> -> memref<16x128xf32, #tpu.memory_space<vmem_shared>>
        %dma_wait3A_49 = arith.constant 0 : i32
        %dma_wait3A_50 = arith.constant 0 : i32
        %dma_wait3A_51 = tpu.memref_slice %arg5[%dma_wait3A_49, %dma_wait3A_50] : memref<624x128xf32, #tpu.memory_space<hbm>> -> memref<16x128xf32, #tpu.memory_space<hbm>>
        tpu.wait_dma2 semaphore(%run_scoped3A : memref<!tpu.dma_semaphore, #tpu.memory_space<semaphore_mem>>) src(%dma_wait3A_51 : memref<16x128xf32, #tpu.memory_space<hbm>>) dst(%dma_wait3A_48 : memref<16x128xf32, #tpu.memory_space<vmem_shared>>)
        tpu.yield
      }) : () -> ()
    } else {
    }
    %barrier3A = arith.constant 0 : index
    tpu.barrier barrier_id(%barrier3A)
    %scan3A = arith.constant 0 : i32
    %scan3A_13 = arith.constant 79 : i32
    %scan3A_14 = arith.addi %scan3A, %scan3A_13 : i32
    %scan3A_15 = arith.constant 1 : i32
    scf.for %scan3A_42 = %scan3A to %scan3A_14 step %scan3A_15  : i32 {
      %mul3A_43 = arith.constant 1 : i32
      %mul3A_44 = arith.muli %scan3A_42, %mul3A_43 : i32
      %add3A_45 = arith.constant 0 : i32
      %add3A_46 = arith.addi %add3A_45, %mul3A_44 : i32
      %mul3A_47 = arith.constant 128 : i32
      %mul3A_48 = arith.muli %add3A_46, %mul3A_47 : i32
      %add3A_49 = arith.addi %add3A, %mul3A_48 : i32
      "tpu.region"() ({
        %run_scoped3A = tpu.sem_alloc : memref<!tpu.dma_semaphore, #tpu.memory_space<semaphore_mem>>
        %dma_start3A_63 = tpu.memref_slice %arg3[%add3A_49] : memref<323584xi32, #tpu.memory_space<hbm>> -> memref<128xi32, #tpu.memory_space<hbm>>
        %dma_start3A_64 = tpu.memref_slice %arg3[%add3A_49] : memref<323584xi32, #tpu.memory_space<hbm>> -> memref<128xi32, #tpu.memory_space<hbm>>
        tpu.enqueue_dma source(%dma_start3A_64 : memref<128xi32, #tpu.memory_space<hbm>>) target(%arg8 : memref<128xi32, #tpu.memory_space<vmem>>) target_semaphore(%run_scoped3A : memref<!tpu.dma_semaphore, #tpu.memory_space<semaphore_mem>>)
        %dma_wait3A_65 = tpu.memref_slice %arg3[%add3A_49] : memref<323584xi32, #tpu.memory_space<hbm>> -> memref<128xi32, #tpu.memory_space<hbm>>
        %dma_wait3A_66 = tpu.memref_slice %arg3[%add3A_49] : memref<323584xi32, #tpu.memory_space<hbm>> -> memref<128xi32, #tpu.memory_space<hbm>>
        tpu.wait_dma2 semaphore(%run_scoped3A : memref<!tpu.dma_semaphore, #tpu.memory_space<semaphore_mem>>) src(%dma_wait3A_66 : memref<128xi32, #tpu.memory_space<hbm>>) dst(%arg8 : memref<128xi32, #tpu.memory_space<vmem>>)
        tpu.yield
      }) : () -> ()
      %mul3A_50 = arith.constant 128 : i32
      %mul3A_51 = arith.muli %add3A_46, %mul3A_50 : i32
      %add3A_52 = arith.addi %mul3A_3, %mul3A_51 : i32
      "tpu.region"() ({
        %run_scoped3A = tpu.sem_alloc : memref<!tpu.dma_semaphore, #tpu.memory_space<semaphore_mem>>
        %dma_start3A_63 = tpu.memref_slice %arg4[%add3A_52] : memref<161792xi32, #tpu.memory_space<hbm>> -> memref<128xi32, #tpu.memory_space<hbm>>
        %dma_start3A_64 = tpu.memref_slice %arg4[%add3A_52] : memref<161792xi32, #tpu.memory_space<hbm>> -> memref<128xi32, #tpu.memory_space<hbm>>
        tpu.enqueue_dma source(%dma_start3A_64 : memref<128xi32, #tpu.memory_space<hbm>>) target(%arg9 : memref<128xi32, #tpu.memory_space<vmem>>) target_semaphore(%run_scoped3A : memref<!tpu.dma_semaphore, #tpu.memory_space<semaphore_mem>>)
        %dma_wait3A_65 = tpu.memref_slice %arg4[%add3A_52] : memref<161792xi32, #tpu.memory_space<hbm>> -> memref<128xi32, #tpu.memory_space<hbm>>
        %dma_wait3A_66 = tpu.memref_slice %arg4[%add3A_52] : memref<161792xi32, #tpu.memory_space<hbm>> -> memref<128xi32, #tpu.memory_space<hbm>>
        tpu.wait_dma2 semaphore(%run_scoped3A : memref<!tpu.dma_semaphore, #tpu.memory_space<semaphore_mem>>) src(%dma_wait3A_66 : memref<128xi32, #tpu.memory_space<hbm>>) dst(%arg9 : memref<128xi32, #tpu.memory_space<vmem>>)
        tpu.yield
      }) : () -> ()
      %dma_start3A = arith.constant 0 : i32
      %dma_start3A_53 = arith.constant 0 : i32
      %dma_start3A_54 = tpu.memref_slice %arg2[%dma_start3A, %dma_start3A_53] : memref<40000x128xf32, #tpu.memory_space<hbm>> -> memref<40000x128xf32, #tpu.memory_space<hbm>>
      tpu.enqueue_indirect_dma source(%dma_start3A_54 : memref<40000x128xf32, #tpu.memory_space<hbm>>) target(%arg10 : memref<128x128xf32, #tpu.memory_space<vmem>>) offsets(%arg8 : memref<128xi32, #tpu.memory_space<vmem>>) semaphore(%arg11 : memref<!tpu.dma_semaphore, #tpu.memory_space<semaphore_mem>>)
      %dma_wait3A = arith.constant 0 : i32
      %dma_wait3A_55 = arith.constant 0 : i32
      %dma_wait3A_56 = tpu.memref_slice %arg2[%dma_wait3A, %dma_wait3A_55] : memref<40000x128xf32, #tpu.memory_space<hbm>> -> memref<40000x128xf32, #tpu.memory_space<hbm>>
      tpu.wait_indirect_dma semaphore(%arg11 : memref<!tpu.dma_semaphore, #tpu.memory_space<semaphore_mem>>) src(%dma_wait3A_56 : memref<40000x128xf32, #tpu.memory_space<hbm>>) dst(%arg10 : memref<128x128xf32, #tpu.memory_space<vmem>>)
      %dma_start3A_57 = arith.constant 0 : i32
      %dma_start3A_58 = arith.constant 0 : i32
      %dma_start3A_59 = tpu.memref_slice %arg7[%dma_start3A_57, %dma_start3A_58] : memref<10016x128xf32, #tpu.memory_space<vmem_shared>> -> memref<10016x128xf32, #tpu.memory_space<vmem_shared>>
      tpu.enqueue_indirect_dma source(%arg10 : memref<128x128xf32, #tpu.memory_space<vmem>>) target(%dma_start3A_59 : memref<10016x128xf32, #tpu.memory_space<vmem_shared>>) offsets(%arg9 : memref<128xi32, #tpu.memory_space<vmem>>) semaphore(%arg11 : memref<!tpu.dma_semaphore, #tpu.memory_space<semaphore_mem>>) {add = true}
      %dma_wait3A_60 = arith.constant 0 : i32
      %dma_wait3A_61 = arith.constant 0 : i32
      %dma_wait3A_62 = tpu.memref_slice %arg7[%dma_wait3A_60, %dma_wait3A_61] : memref<10016x128xf32, #tpu.memory_space<vmem_shared>> -> memref<10016x128xf32, #tpu.memory_space<vmem_shared>>
      tpu.wait_indirect_dma semaphore(%arg11 : memref<!tpu.dma_semaphore, #tpu.memory_space<semaphore_mem>>) src(%arg10 : memref<128x128xf32, #tpu.memory_space<vmem>>) dst(%dma_wait3A_62 : memref<10016x128xf32, #tpu.memory_space<vmem_shared>>)
    }
    %scan3A_16 = arith.constant 79 : i32
    %barrier3A_17 = arith.constant 0 : index
    tpu.barrier barrier_id(%barrier3A_17)
    %add3A_18 = arith.constant 0 : i32
    %add3A_19 = arith.addi %mul3A_1, %add3A_18 : i32
    %mul3A_20 = arith.constant 10000 : i32
    %mul3A_21 = arith.muli %arg0, %mul3A_20 : i32
    %add3A_22 = arith.addi %mul3A_21, %mul3A_1 : i32
    %add3A_23 = arith.constant 0 : i32
    %add3A_24 = arith.addi %add3A_22, %add3A_23 : i32
    "tpu.region"() ({
      %run_scoped3A = tpu.sem_alloc : memref<!tpu.dma_semaphore, #tpu.memory_space<semaphore_mem>>
      %dma_start3A = arith.constant 0 : i32
      %dma_start3A_42 = tpu.memref_slice %arg6[%add3A_24, %dma_start3A] : memref<20000x128xf32, #tpu.memory_space<hbm>> -> memref<208x128xf32, #tpu.memory_space<hbm>>
      %dma_start3A_43 = arith.constant 0 : i32
      %dma_start3A_44 = tpu.memref_slice %arg7[%add3A_19, %dma_start3A_43] : memref<10016x128xf32, #tpu.memory_space<vmem_shared>> -> memref<208x128xf32, #tpu.memory_space<vmem_shared>>
      tpu.enqueue_dma source(%dma_start3A_44 : memref<208x128xf32, #tpu.memory_space<vmem_shared>>) target(%dma_start3A_42 : memref<208x128xf32, #tpu.memory_space<hbm>>) target_semaphore(%run_scoped3A : memref<!tpu.dma_semaphore, #tpu.memory_space<semaphore_mem>>)
      %dma_wait3A = arith.constant 0 : i32
      %dma_wait3A_45 = tpu.memref_slice %arg6[%add3A_24, %dma_wait3A] : memref<20000x128xf32, #tpu.memory_space<hbm>> -> memref<208x128xf32, #tpu.memory_space<hbm>>
      %dma_wait3A_46 = arith.constant 0 : i32
      %dma_wait3A_47 = tpu.memref_slice %arg7[%add3A_19, %dma_wait3A_46] : memref<10016x128xf32, #tpu.memory_space<vmem_shared>> -> memref<208x128xf32, #tpu.memory_space<vmem_shared>>
      tpu.wait_dma2 semaphore(%run_scoped3A : memref<!tpu.dma_semaphore, #tpu.memory_space<semaphore_mem>>) src(%dma_wait3A_47 : memref<208x128xf32, #tpu.memory_space<vmem_shared>>) dst(%dma_wait3A_45 : memref<208x128xf32, #tpu.memory_space<hbm>>)
      tpu.yield
    }) : () -> ()
    %add3A_25 = arith.constant 208 : i32
    %add3A_26 = arith.addi %mul3A_1, %add3A_25 : i32
    %mul3A_27 = arith.constant 10000 : i32
    %mul3A_28 = arith.muli %arg0, %mul3A_27 : i32
    %add3A_29 = arith.addi %mul3A_28, %mul3A_1 : i32
    %add3A_30 = arith.constant 208 : i32
    %add3A_31 = arith.addi %add3A_29, %add3A_30 : i32
    "tpu.region"() ({
      %run_scoped3A = tpu.sem_alloc : memref<!tpu.dma_semaphore, #tpu.memory_space<semaphore_mem>>
      %dma_start3A = arith.constant 0 : i32
      %dma_start3A_42 = tpu.memref_slice %arg6[%add3A_31, %dma_start3A] : memref<20000x128xf32, #tpu.memory_space<hbm>> -> memref<208x128xf32, #tpu.memory_space<hbm>>
      %dma_start3A_43 = arith.constant 0 : i32
      %dma_start3A_44 = tpu.memref_slice %arg7[%add3A_26, %dma_start3A_43] : memref<10016x128xf32, #tpu.memory_space<vmem_shared>> -> memref<208x128xf32, #tpu.memory_space<vmem_shared>>
      tpu.enqueue_dma source(%dma_start3A_44 : memref<208x128xf32, #tpu.memory_space<vmem_shared>>) target(%dma_start3A_42 : memref<208x128xf32, #tpu.memory_space<hbm>>) target_semaphore(%run_scoped3A : memref<!tpu.dma_semaphore, #tpu.memory_space<semaphore_mem>>)
      %dma_wait3A = arith.constant 0 : i32
      %dma_wait3A_45 = tpu.memref_slice %arg6[%add3A_31, %dma_wait3A] : memref<20000x128xf32, #tpu.memory_space<hbm>> -> memref<208x128xf32, #tpu.memory_space<hbm>>
      %dma_wait3A_46 = arith.constant 0 : i32
      %dma_wait3A_47 = tpu.memref_slice %arg7[%add3A_26, %dma_wait3A_46] : memref<10016x128xf32, #tpu.memory_space<vmem_shared>> -> memref<208x128xf32, #tpu.memory_space<vmem_shared>>
      tpu.wait_dma2 semaphore(%run_scoped3A : memref<!tpu.dma_semaphore, #tpu.memory_space<semaphore_mem>>) src(%dma_wait3A_47 : memref<208x128xf32, #tpu.memory_space<vmem_shared>>) dst(%dma_wait3A_45 : memref<208x128xf32, #tpu.memory_space<hbm>>)
      tpu.yield
    }) : () -> ()
    %add3A_32 = arith.constant 416 : i32
    %add3A_33 = arith.addi %mul3A_1, %add3A_32 : i32
    %mul3A_34 = arith.constant 10000 : i32
    %mul3A_35 = arith.muli %arg0, %mul3A_34 : i32
    %add3A_36 = arith.addi %mul3A_35, %mul3A_1 : i32
    %add3A_37 = arith.constant 416 : i32
    %add3A_38 = arith.addi %add3A_36, %add3A_37 : i32
    "tpu.region"() ({
      %run_scoped3A = tpu.sem_alloc : memref<!tpu.dma_semaphore, #tpu.memory_space<semaphore_mem>>
      %dma_start3A = arith.constant 0 : i32
      %dma_start3A_42 = tpu.memref_slice %arg6[%add3A_38, %dma_start3A] : memref<20000x128xf32, #tpu.memory_space<hbm>> -> memref<208x128xf32, #tpu.memory_space<hbm>>
      %dma_start3A_43 = arith.constant 0 : i32
      %dma_start3A_44 = tpu.memref_slice %arg7[%add3A_33, %dma_start3A_43] : memref<10016x128xf32, #tpu.memory_space<vmem_shared>> -> memref<208x128xf32, #tpu.memory_space<vmem_shared>>
      tpu.enqueue_dma source(%dma_start3A_44 : memref<208x128xf32, #tpu.memory_space<vmem_shared>>) target(%dma_start3A_42 : memref<208x128xf32, #tpu.memory_space<hbm>>) target_semaphore(%run_scoped3A : memref<!tpu.dma_semaphore, #tpu.memory_space<semaphore_mem>>)
      %dma_wait3A = arith.constant 0 : i32
      %dma_wait3A_45 = tpu.memref_slice %arg6[%add3A_38, %dma_wait3A] : memref<20000x128xf32, #tpu.memory_space<hbm>> -> memref<208x128xf32, #tpu.memory_space<hbm>>
      %dma_wait3A_46 = arith.constant 0 : i32
      %dma_wait3A_47 = tpu.memref_slice %arg7[%add3A_33, %dma_wait3A_46] : memref<10016x128xf32, #tpu.memory_space<vmem_shared>> -> memref<208x128xf32, #tpu.memory_space<vmem_shared>>
      tpu.wait_dma2 semaphore(%run_scoped3A : memref<!tpu.dma_semaphore, #tpu.memory_space<semaphore_mem>>) src(%dma_wait3A_47 : memref<208x128xf32, #tpu.memory_space<vmem_shared>>) dst(%dma_wait3A_45 : memref<208x128xf32, #tpu.memory_space<hbm>>)
      tpu.yield
    }) : () -> ()
    %convert_element_type3A_39 = arith.extui %eq3A_0 : i1 to i32
    %cond3A_40 = arith.constant 0 : i32
    %cond3A_41 = arith.cmpi ne, %convert_element_type3A_39, %cond3A_40 : i32
    scf.if %cond3A_41 {
      %mul3A_42 = arith.constant 10000 : i32
      %mul3A_43 = arith.muli %arg0, %mul3A_42 : i32
      %add3A_44 = arith.constant 10000 : i32
      %add3A_45 = arith.addi %mul3A_43, %add3A_44 : i32
      %sub3A = arith.constant 16 : i32
      %sub3A_46 = arith.subi %add3A_45, %sub3A : i32
      "tpu.region"() ({
        %run_scoped3A = tpu.sem_alloc : memref<!tpu.dma_semaphore, #tpu.memory_space<semaphore_mem>>
        %dma_start3A = arith.constant 0 : i32
        %dma_start3A_47 = tpu.memref_slice %arg6[%sub3A_46, %dma_start3A] : memref<20000x128xf32, #tpu.memory_space<hbm>> -> memref<16x128xf32, #tpu.memory_space<hbm>>
        %dma_start3A_48 = arith.constant 9984 : i32
        %dma_start3A_49 = arith.constant 0 : i32
        %dma_start3A_50 = tpu.memref_slice %arg7[%dma_start3A_48, %dma_start3A_49] : memref<10016x128xf32, #tpu.memory_space<vmem_shared>> -> memref<16x128xf32, #tpu.memory_space<vmem_shared>>
        tpu.enqueue_dma source(%dma_start3A_50 : memref<16x128xf32, #tpu.memory_space<vmem_shared>>) target(%dma_start3A_47 : memref<16x128xf32, #tpu.memory_space<hbm>>) target_semaphore(%run_scoped3A : memref<!tpu.dma_semaphore, #tpu.memory_space<semaphore_mem>>)
        %dma_wait3A = arith.constant 0 : i32
        %dma_wait3A_51 = tpu.memref_slice %arg6[%sub3A_46, %dma_wait3A] : memref<20000x128xf32, #tpu.memory_space<hbm>> -> memref<16x128xf32, #tpu.memory_space<hbm>>
        %dma_wait3A_52 = arith.constant 9984 : i32
        %dma_wait3A_53 = arith.constant 0 : i32
        %dma_wait3A_54 = tpu.memref_slice %arg7[%dma_wait3A_52, %dma_wait3A_53] : memref<10016x128xf32, #tpu.memory_space<vmem_shared>> -> memref<16x128xf32, #tpu.memory_space<vmem_shared>>
        tpu.wait_dma2 semaphore(%run_scoped3A : memref<!tpu.dma_semaphore, #tpu.memory_space<semaphore_mem>>) src(%dma_wait3A_54 : memref<16x128xf32, #tpu.memory_space<vmem_shared>>) dst(%dma_wait3A_51 : memref<16x128xf32, #tpu.memory_space<hbm>>)
        tpu.yield
      }) : () -> ()
    } else {
    }
    return
  }
}

#map = affine_map<(d0, d1) -> (0, 0)>
#map1 = affine_map<(d0, d1) -> (0)>
module attributes {stable_mosaic.version = 14 : i64} {
  func.func @k(%arg0: i32, %arg1: i32, %arg2: memref<40000x128xf32, #tpu.memory_space<hbm>>, %arg3: memref<323584xi32, #tpu.memory_space<hbm>>, %arg4: memref<161792xi32, #tpu.memory_space<hbm>>, %arg5: memref<624x128xf32, #tpu.memory_space<hbm>>, %arg6: memref<20000x128xf32, #tpu.memory_space<hbm>>, %arg7: memref<10016x128xf32, #tpu.memory_space<vmem_shared>>, %arg8: memref<128xi32, #tpu.memory_space<vmem>>, %arg9: memref<128xi32, #tpu.memory_space<vmem>>, %arg10: memref<128x128xf32, #tpu.memory_space<vmem>>, %arg11: memref<!tpu.dma_semaphore, #tpu.memory_space<semaphore_mem>>) attributes {dimension_semantics = [#tpu.dimension_semantics<core_parallel>, #tpu.dimension_semantics<subcore_parallel>], iteration_bounds = array<i64: 2, 16>, scalar_prefetch = 0 : i64, scratch_operands = 5 : i64, tpu.core_type = #tpu.core_type<sc_vector_subcore>, window_params = [{transform_indices = #map}, {transform_indices = #map1}, {transform_indices = #map1}, {transform_indices = #map}, {transform_indices = #map}]} {
    %eq3A = arith.constant 15 : i32
    %eq3A_0 = arith.cmpi eq, %arg1, %eq3A : i32
    %mul3A = arith.constant 624 : i32
    %mul3A_1 = arith.muli %arg1, %mul3A : i32
    %mul3A_2 = arith.constant 10112 : i32
    %mul3A_3 = arith.muli %arg1, %mul3A_2 : i32
    %mul3A_4 = arith.constant 161792 : i32
    %mul3A_5 = arith.muli %arg0, %mul3A_4 : i32
    %add3A = arith.addi %mul3A_5, %mul3A_3 : i32
    %add3A_6 = arith.constant 0 : i32
    %add3A_7 = arith.addi %mul3A_1, %add3A_6 : i32
    "tpu.region"() ({
      %run_scoped3A = tpu.sem_alloc : memref<!tpu.dma_semaphore, #tpu.memory_space<semaphore_mem>>
      %dma_start3A = arith.constant 0 : i32
      %dma_start3A_42 = tpu.memref_slice %arg7[%add3A_7, %dma_start3A] : memref<10016x128xf32, #tpu.memory_space<vmem_shared>> -> memref<208x128xf32, #tpu.memory_space<vmem_shared>>
      %dma_start3A_43 = arith.constant 0 : i32
      %dma_start3A_44 = arith.constant 0 : i32
      %dma_start3A_45 = tpu.memref_slice %arg5[%dma_start3A_43, %dma_start3A_44] : memref<624x128xf32, #tpu.memory_space<hbm>> -> memref<208x128xf32, #tpu.memory_space<hbm>>
      tpu.enqueue_dma source(%dma_start3A_45 : memref<208x128xf32, #tpu.memory_space<hbm>>) target(%dma_start3A_42 : memref<208x128xf32, #tpu.memory_space<vmem_shared>>) target_semaphore(%run_scoped3A : memref<!tpu.dma_semaphore, #tpu.memory_space<semaphore_mem>>)
      %dma_wait3A = arith.constant 0 : i32
      %dma_wait3A_46 = tpu.memref_slice %arg7[%add3A_7, %dma_wait3A] : memref<10016x128xf32, #tpu.memory_space<vmem_shared>> -> memref<208x128xf32, #tpu.memory_space<vmem_shared>>
      %dma_wait3A_47 = arith.constant 0 : i32
      %dma_wait3A_48 = arith.constant 0 : i32
      %dma_wait3A_49 = tpu.memref_slice %arg5[%dma_wait3A_47, %dma_wait3A_48] : memref<624x128xf32, #tpu.memory_space<hbm>> -> memref<208x128xf32, #tpu.memory_space<hbm>>
      tpu.wait_dma2 semaphore(%run_scoped3A : memref<!tpu.dma_semaphore, #tpu.memory_space<semaphore_mem>>) src(%dma_wait3A_49 : memref<208x128xf32, #tpu.memory_space<hbm>>) dst(%dma_wait3A_46 : memref<208x128xf32, #tpu.memory_space<vmem_shared>>)
      tpu.yield
    }) : () -> ()
    %add3A_8 = arith.constant 208 : i32
    %add3A_9 = arith.addi %mul3A_1, %add3A_8 : i32
    "tpu.region"() ({
      %run_scoped3A = tpu.sem_alloc : memref<!tpu.dma_semaphore, #tpu.memory_space<semaphore_mem>>
      %dma_start3A = arith.constant 0 : i32
      %dma_start3A_42 = tpu.memref_slice %arg7[%add3A_9, %dma_start3A] : memref<10016x128xf32, #tpu.memory_space<vmem_shared>> -> memref<208x128xf32, #tpu.memory_space<vmem_shared>>
      %dma_start3A_43 = arith.constant 208 : i32
      %dma_start3A_44 = arith.constant 0 : i32
      %dma_start3A_45 = tpu.memref_slice %arg5[%dma_start3A_43, %dma_start3A_44] : memref<624x128xf32, #tpu.memory_space<hbm>> -> memref<208x128xf32, #tpu.memory_space<hbm>>
      tpu.enqueue_dma source(%dma_start3A_45 : memref<208x128xf32, #tpu.memory_space<hbm>>) target(%dma_start3A_42 : memref<208x128xf32, #tpu.memory_space<vmem_shared>>) target_semaphore(%run_scoped3A : memref<!tpu.dma_semaphore, #tpu.memory_space<semaphore_mem>>)
      %dma_wait3A = arith.constant 0 : i32
      %dma_wait3A_46 = tpu.memref_slice %arg7[%add3A_9, %dma_wait3A] : memref<10016x128xf32, #tpu.memory_space<vmem_shared>> -> memref<208x128xf32, #tpu.memory_space<vmem_shared>>
      %dma_wait3A_47 = arith.constant 208 : i32
      %dma_wait3A_48 = arith.constant 0 : i32
      %dma_wait3A_49 = tpu.memref_slice %arg5[%dma_wait3A_47, %dma_wait3A_48] : memref<624x128xf32, #tpu.memory_space<hbm>> -> memref<208x128xf32, #tpu.memory_space<hbm>>
      tpu.wait_dma2 semaphore(%run_scoped3A : memref<!tpu.dma_semaphore, #tpu.memory_space<semaphore_mem>>) src(%dma_wait3A_49 : memref<208x128xf32, #tpu.memory_space<hbm>>) dst(%dma_wait3A_46 : memref<208x128xf32, #tpu.memory_space<vmem_shared>>)
      tpu.yield
    }) : () -> ()
    %add3A_10 = arith.constant 416 : i32
    %add3A_11 = arith.addi %mul3A_1, %add3A_10 : i32
    "tpu.region"() ({
      %run_scoped3A = tpu.sem_alloc : memref<!tpu.dma_semaphore, #tpu.memory_space<semaphore_mem>>
      %dma_start3A = arith.constant 0 : i32
      %dma_start3A_42 = tpu.memref_slice %arg7[%add3A_11, %dma_start3A] : memref<10016x128xf32, #tpu.memory_space<vmem_shared>> -> memref<208x128xf32, #tpu.memory_space<vmem_shared>>
      %dma_start3A_43 = arith.constant 416 : i32
      %dma_start3A_44 = arith.constant 0 : i32
      %dma_start3A_45 = tpu.memref_slice %arg5[%dma_start3A_43, %dma_start3A_44] : memref<624x128xf32, #tpu.memory_space<hbm>> -> memref<208x128xf32, #tpu.memory_space<hbm>>
      tpu.enqueue_dma source(%dma_start3A_45 : memref<208x128xf32, #tpu.memory_space<hbm>>) target(%dma_start3A_42 : memref<208x128xf32, #tpu.memory_space<vmem_shared>>) target_semaphore(%run_scoped3A : memref<!tpu.dma_semaphore, #tpu.memory_space<semaphore_mem>>)
      %dma_wait3A = arith.constant 0 : i32
      %dma_wait3A_46 = tpu.memref_slice %arg7[%add3A_11, %dma_wait3A] : memref<10016x128xf32, #tpu.memory_space<vmem_shared>> -> memref<208x128xf32, #tpu.memory_space<vmem_shared>>
      %dma_wait3A_47 = arith.constant 416 : i32
      %dma_wait3A_48 = arith.constant 0 : i32
      %dma_wait3A_49 = tpu.memref_slice %arg5[%dma_wait3A_47, %dma_wait3A_48] : memref<624x128xf32, #tpu.memory_space<hbm>> -> memref<208x128xf32, #tpu.memory_space<hbm>>
      tpu.wait_dma2 semaphore(%run_scoped3A : memref<!tpu.dma_semaphore, #tpu.memory_space<semaphore_mem>>) src(%dma_wait3A_49 : memref<208x128xf32, #tpu.memory_space<hbm>>) dst(%dma_wait3A_46 : memref<208x128xf32, #tpu.memory_space<vmem_shared>>)
      tpu.yield
    }) : () -> ()
    %convert_element_type3A = arith.extui %eq3A_0 : i1 to i32
    %cond3A = arith.constant 0 : i32
    %cond3A_12 = arith.cmpi ne, %convert_element_type3A, %cond3A : i32
    scf.if %cond3A_12 {
      "tpu.region"() ({
        %run_scoped3A = tpu.sem_alloc : memref<!tpu.dma_semaphore, #tpu.memory_space<semaphore_mem>>
        %dma_start3A = arith.constant 9984 : i32
        %dma_start3A_42 = arith.constant 0 : i32
        %dma_start3A_43 = tpu.memref_slice %arg7[%dma_start3A, %dma_start3A_42] : memref<10016x128xf32, #tpu.memory_space<vmem_shared>> -> memref<16x128xf32, #tpu.memory_space<vmem_shared>>
        %dma_start3A_44 = arith.constant 0 : i32
        %dma_start3A_45 = arith.constant 0 : i32
        %dma_start3A_46 = tpu.memref_slice %arg5[%dma_start3A_44, %dma_start3A_45] : memref<624x128xf32, #tpu.memory_space<hbm>> -> memref<16x128xf32, #tpu.memory_space<hbm>>
        tpu.enqueue_dma source(%dma_start3A_46 : memref<16x128xf32, #tpu.memory_space<hbm>>) target(%dma_start3A_43 : memref<16x128xf32, #tpu.memory_space<vmem_shared>>) target_semaphore(%run_scoped3A : memref<!tpu.dma_semaphore, #tpu.memory_space<semaphore_mem>>)
        %dma_wait3A = arith.constant 9984 : i32
        %dma_wait3A_47 = arith.constant 0 : i32
        %dma_wait3A_48 = tpu.memref_slice %arg7[%dma_wait3A, %dma_wait3A_47] : memref<10016x128xf32, #tpu.memory_space<vmem_shared>> -> memref<16x128xf32, #tpu.memory_space<vmem_shared>>
        %dma_wait3A_49 = arith.constant 0 : i32
        %dma_wait3A_50 = arith.constant 0 : i32
        %dma_wait3A_51 = tpu.memref_slice %arg5[%dma_wait3A_49, %dma_wait3A_50] : memref<624x128xf32, #tpu.memory_space<hbm>> -> memref<16x128xf32, #tpu.memory_space<hbm>>
        tpu.wait_dma2 semaphore(%run_scoped3A : memref<!tpu.dma_semaphore, #tpu.memory_space<semaphore_mem>>) src(%dma_wait3A_51 : memref<16x128xf32, #tpu.memory_space<hbm>>) dst(%dma_wait3A_48 : memref<16x128xf32, #tpu.memory_space<vmem_shared>>)
        tpu.yield
      }) : () -> ()
    } else {
    }
    %barrier3A = arith.constant 0 : index
    tpu.barrier barrier_id(%barrier3A)
    %scan3A = arith.constant 0 : i32
    %scan3A_13 = arith.constant 79 : i32
    %scan3A_14 = arith.addi %scan3A, %scan3A_13 : i32
    %scan3A_15 = arith.constant 1 : i32
    scf.for %scan3A_42 = %scan3A to %scan3A_14 step %scan3A_15  : i32 {
      %mul3A_43 = arith.constant 1 : i32
      %mul3A_44 = arith.muli %scan3A_42, %mul3A_43 : i32
      %add3A_45 = arith.constant 0 : i32
      %add3A_46 = arith.addi %add3A_45, %mul3A_44 : i32
      %mul3A_47 = arith.constant 128 : i32
      %mul3A_48 = arith.muli %add3A_46, %mul3A_47 : i32
      %add3A_49 = arith.addi %add3A, %mul3A_48 : i32
      "tpu.region"() ({
        %run_scoped3A = tpu.sem_alloc : memref<!tpu.dma_semaphore, #tpu.memory_space<semaphore_mem>>
        %dma_start3A_63 = tpu.memref_slice %arg3[%add3A_49] : memref<323584xi32, #tpu.memory_space<hbm>> -> memref<128xi32, #tpu.memory_space<hbm>>
        %dma_start3A_64 = tpu.memref_slice %arg3[%add3A_49] : memref<323584xi32, #tpu.memory_space<hbm>> -> memref<128xi32, #tpu.memory_space<hbm>>
        tpu.enqueue_dma source(%dma_start3A_64 : memref<128xi32, #tpu.memory_space<hbm>>) target(%arg8 : memref<128xi32, #tpu.memory_space<vmem>>) target_semaphore(%run_scoped3A : memref<!tpu.dma_semaphore, #tpu.memory_space<semaphore_mem>>)
        %dma_wait3A_65 = tpu.memref_slice %arg3[%add3A_49] : memref<323584xi32, #tpu.memory_space<hbm>> -> memref<128xi32, #tpu.memory_space<hbm>>
        %dma_wait3A_66 = tpu.memref_slice %arg3[%add3A_49] : memref<323584xi32, #tpu.memory_space<hbm>> -> memref<128xi32, #tpu.memory_space<hbm>>
        tpu.wait_dma2 semaphore(%run_scoped3A : memref<!tpu.dma_semaphore, #tpu.memory_space<semaphore_mem>>) src(%dma_wait3A_66 : memref<128xi32, #tpu.memory_space<hbm>>) dst(%arg8 : memref<128xi32, #tpu.memory_space<vmem>>)
        tpu.yield
      }) : () -> ()
      %mul3A_50 = arith.constant 128 : i32
      %mul3A_51 = arith.muli %add3A_46, %mul3A_50 : i32
      %add3A_52 = arith.addi %mul3A_3, %mul3A_51 : i32
      "tpu.region"() ({
        %run_scoped3A = tpu.sem_alloc : memref<!tpu.dma_semaphore, #tpu.memory_space<semaphore_mem>>
        %dma_start3A_63 = tpu.memref_slice %arg4[%add3A_52] : memref<161792xi32, #tpu.memory_space<hbm>> -> memref<128xi32, #tpu.memory_space<hbm>>
        %dma_start3A_64 = tpu.memref_slice %arg4[%add3A_52] : memref<161792xi32, #tpu.memory_space<hbm>> -> memref<128xi32, #tpu.memory_space<hbm>>
        tpu.enqueue_dma source(%dma_start3A_64 : memref<128xi32, #tpu.memory_space<hbm>>) target(%arg9 : memref<128xi32, #tpu.memory_space<vmem>>) target_semaphore(%run_scoped3A : memref<!tpu.dma_semaphore, #tpu.memory_space<semaphore_mem>>)
        %dma_wait3A_65 = tpu.memref_slice %arg4[%add3A_52] : memref<161792xi32, #tpu.memory_space<hbm>> -> memref<128xi32, #tpu.memory_space<hbm>>
        %dma_wait3A_66 = tpu.memref_slice %arg4[%add3A_52] : memref<161792xi32, #tpu.memory_space<hbm>> -> memref<128xi32, #tpu.memory_space<hbm>>
        tpu.wait_dma2 semaphore(%run_scoped3A : memref<!tpu.dma_semaphore, #tpu.memory_space<semaphore_mem>>) src(%dma_wait3A_66 : memref<128xi32, #tpu.memory_space<hbm>>) dst(%arg9 : memref<128xi32, #tpu.memory_space<vmem>>)
        tpu.yield
      }) : () -> ()
      %dma_start3A = arith.constant 0 : i32
      %dma_start3A_53 = arith.constant 0 : i32
      %dma_start3A_54 = tpu.memref_slice %arg2[%dma_start3A, %dma_start3A_53] : memref<40000x128xf32, #tpu.memory_space<hbm>> -> memref<40000x128xf32, #tpu.memory_space<hbm>>
      tpu.enqueue_indirect_dma source(%dma_start3A_54 : memref<40000x128xf32, #tpu.memory_space<hbm>>) target(%arg10 : memref<128x128xf32, #tpu.memory_space<vmem>>) offsets(%arg8 : memref<128xi32, #tpu.memory_space<vmem>>) semaphore(%arg11 : memref<!tpu.dma_semaphore, #tpu.memory_space<semaphore_mem>>)
      %dma_wait3A = arith.constant 0 : i32
      %dma_wait3A_55 = arith.constant 0 : i32
      %dma_wait3A_56 = tpu.memref_slice %arg2[%dma_wait3A, %dma_wait3A_55] : memref<40000x128xf32, #tpu.memory_space<hbm>> -> memref<40000x128xf32, #tpu.memory_space<hbm>>
      tpu.wait_indirect_dma semaphore(%arg11 : memref<!tpu.dma_semaphore, #tpu.memory_space<semaphore_mem>>) src(%dma_wait3A_56 : memref<40000x128xf32, #tpu.memory_space<hbm>>) dst(%arg10 : memref<128x128xf32, #tpu.memory_space<vmem>>)
      %dma_start3A_57 = arith.constant 0 : i32
      %dma_start3A_58 = arith.constant 0 : i32
      %dma_start3A_59 = tpu.memref_slice %arg7[%dma_start3A_57, %dma_start3A_58] : memref<10016x128xf32, #tpu.memory_space<vmem_shared>> -> memref<10016x128xf32, #tpu.memory_space<vmem_shared>>
      tpu.enqueue_indirect_dma source(%arg10 : memref<128x128xf32, #tpu.memory_space<vmem>>) target(%dma_start3A_59 : memref<10016x128xf32, #tpu.memory_space<vmem_shared>>) offsets(%arg9 : memref<128xi32, #tpu.memory_space<vmem>>) semaphore(%arg11 : memref<!tpu.dma_semaphore, #tpu.memory_space<semaphore_mem>>) {add = true}
      %dma_wait3A_60 = arith.constant 0 : i32
      %dma_wait3A_61 = arith.constant 0 : i32
      %dma_wait3A_62 = tpu.memref_slice %arg7[%dma_wait3A_60, %dma_wait3A_61] : memref<10016x128xf32, #tpu.memory_space<vmem_shared>> -> memref<10016x128xf32, #tpu.memory_space<vmem_shared>>
      tpu.wait_indirect_dma semaphore(%arg11 : memref<!tpu.dma_semaphore, #tpu.memory_space<semaphore_mem>>) src(%arg10 : memref<128x128xf32, #tpu.memory_space<vmem>>) dst(%dma_wait3A_62 : memref<10016x128xf32, #tpu.memory_space<vmem_shared>>)
    }
    %scan3A_16 = arith.constant 79 : i32
    %barrier3A_17 = arith.constant 0 : index
    tpu.barrier barrier_id(%barrier3A_17)
    %add3A_18 = arith.constant 0 : i32
    %add3A_19 = arith.addi %mul3A_1, %add3A_18 : i32
    %mul3A_20 = arith.constant 10000 : i32
    %mul3A_21 = arith.muli %arg0, %mul3A_20 : i32
    %add3A_22 = arith.addi %mul3A_21, %mul3A_1 : i32
    %add3A_23 = arith.constant 0 : i32
    %add3A_24 = arith.addi %add3A_22, %add3A_23 : i32
    "tpu.region"() ({
      %run_scoped3A = tpu.sem_alloc : memref<!tpu.dma_semaphore, #tpu.memory_space<semaphore_mem>>
      %dma_start3A = arith.constant 0 : i32
      %dma_start3A_42 = tpu.memref_slice %arg6[%add3A_24, %dma_start3A] : memref<20000x128xf32, #tpu.memory_space<hbm>> -> memref<208x128xf32, #tpu.memory_space<hbm>>
      %dma_start3A_43 = arith.constant 0 : i32
      %dma_start3A_44 = tpu.memref_slice %arg7[%add3A_19, %dma_start3A_43] : memref<10016x128xf32, #tpu.memory_space<vmem_shared>> -> memref<208x128xf32, #tpu.memory_space<vmem_shared>>
      tpu.enqueue_dma source(%dma_start3A_44 : memref<208x128xf32, #tpu.memory_space<vmem_shared>>) target(%dma_start3A_42 : memref<208x128xf32, #tpu.memory_space<hbm>>) target_semaphore(%run_scoped3A : memref<!tpu.dma_semaphore, #tpu.memory_space<semaphore_mem>>)
      %dma_wait3A = arith.constant 0 : i32
      %dma_wait3A_45 = tpu.memref_slice %arg6[%add3A_24, %dma_wait3A] : memref<20000x128xf32, #tpu.memory_space<hbm>> -> memref<208x128xf32, #tpu.memory_space<hbm>>
      %dma_wait3A_46 = arith.constant 0 : i32
      %dma_wait3A_47 = tpu.memref_slice %arg7[%add3A_19, %dma_wait3A_46] : memref<10016x128xf32, #tpu.memory_space<vmem_shared>> -> memref<208x128xf32, #tpu.memory_space<vmem_shared>>
      tpu.wait_dma2 semaphore(%run_scoped3A : memref<!tpu.dma_semaphore, #tpu.memory_space<semaphore_mem>>) src(%dma_wait3A_47 : memref<208x128xf32, #tpu.memory_space<vmem_shared>>) dst(%dma_wait3A_45 : memref<208x128xf32, #tpu.memory_space<hbm>>)
      tpu.yield
    }) : () -> ()
    %add3A_25 = arith.constant 208 : i32
    %add3A_26 = arith.addi %mul3A_1, %add3A_25 : i32
    %mul3A_27 = arith.constant 10000 : i32
    %mul3A_28 = arith.muli %arg0, %mul3A_27 : i32
    %add3A_29 = arith.addi %mul3A_28, %mul3A_1 : i32
    %add3A_30 = arith.constant 208 : i32
    %add3A_31 = arith.addi %add3A_29, %add3A_30 : i32
    "tpu.region"() ({
      %run_scoped3A = tpu.sem_alloc : memref<!tpu.dma_semaphore, #tpu.memory_space<semaphore_mem>>
      %dma_start3A = arith.constant 0 : i32
      %dma_start3A_42 = tpu.memref_slice %arg6[%add3A_31, %dma_start3A] : memref<20000x128xf32, #tpu.memory_space<hbm>> -> memref<208x128xf32, #tpu.memory_space<hbm>>
      %dma_start3A_43 = arith.constant 0 : i32
      %dma_start3A_44 = tpu.memref_slice %arg7[%add3A_26, %dma_start3A_43] : memref<10016x128xf32, #tpu.memory_space<vmem_shared>> -> memref<208x128xf32, #tpu.memory_space<vmem_shared>>
      tpu.enqueue_dma source(%dma_start3A_44 : memref<208x128xf32, #tpu.memory_space<vmem_shared>>) target(%dma_start3A_42 : memref<208x128xf32, #tpu.memory_space<hbm>>) target_semaphore(%run_scoped3A : memref<!tpu.dma_semaphore, #tpu.memory_space<semaphore_mem>>)
      %dma_wait3A = arith.constant 0 : i32
      %dma_wait3A_45 = tpu.memref_slice %arg6[%add3A_31, %dma_wait3A] : memref<20000x128xf32, #tpu.memory_space<hbm>> -> memref<208x128xf32, #tpu.memory_space<hbm>>
      %dma_wait3A_46 = arith.constant 0 : i32
      %dma_wait3A_47 = tpu.memref_slice %arg7[%add3A_26, %dma_wait3A_46] : memref<10016x128xf32, #tpu.memory_space<vmem_shared>> -> memref<208x128xf32, #tpu.memory_space<vmem_shared>>
      tpu.wait_dma2 semaphore(%run_scoped3A : memref<!tpu.dma_semaphore, #tpu.memory_space<semaphore_mem>>) src(%dma_wait3A_47 : memref<208x128xf32, #tpu.memory_space<vmem_shared>>) dst(%dma_wait3A_45 : memref<208x128xf32, #tpu.memory_space<hbm>>)
      tpu.yield
    }) : () -> ()
    %add3A_32 = arith.constant 416 : i32
    %add3A_33 = arith.addi %mul3A_1, %add3A_32 : i32
    %mul3A_34 = arith.constant 10000 : i32
    %mul3A_35 = arith.muli %arg0, %mul3A_34 : i32
    %add3A_36 = arith.addi %mul3A_35, %mul3A_1 : i32
    %add3A_37 = arith.constant 416 : i32
    %add3A_38 = arith.addi %add3A_36, %add3A_37 : i32
    "tpu.region"() ({
      %run_scoped3A = tpu.sem_alloc : memref<!tpu.dma_semaphore, #tpu.memory_space<semaphore_mem>>
      %dma_start3A = arith.constant 0 : i32
      %dma_start3A_42 = tpu.memref_slice %arg6[%add3A_38, %dma_start3A] : memref<20000x128xf32, #tpu.memory_space<hbm>> -> memref<208x128xf32, #tpu.memory_space<hbm>>
      %dma_start3A_43 = arith.constant 0 : i32
      %dma_start3A_44 = tpu.memref_slice %arg7[%add3A_33, %dma_start3A_43] : memref<10016x128xf32, #tpu.memory_space<vmem_shared>> -> memref<208x128xf32, #tpu.memory_space<vmem_shared>>
      tpu.enqueue_dma source(%dma_start3A_44 : memref<208x128xf32, #tpu.memory_space<vmem_shared>>) target(%dma_start3A_42 : memref<208x128xf32, #tpu.memory_space<hbm>>) target_semaphore(%run_scoped3A : memref<!tpu.dma_semaphore, #tpu.memory_space<semaphore_mem>>)
      %dma_wait3A = arith.constant 0 : i32
      %dma_wait3A_45 = tpu.memref_slice %arg6[%add3A_38, %dma_wait3A] : memref<20000x128xf32, #tpu.memory_space<hbm>> -> memref<208x128xf32, #tpu.memory_space<hbm>>
      %dma_wait3A_46 = arith.constant 0 : i32
      %dma_wait3A_47 = tpu.memref_slice %arg7[%add3A_33, %dma_wait3A_46] : memref<10016x128xf32, #tpu.memory_space<vmem_shared>> -> memref<208x128xf32, #tpu.memory_space<vmem_shared>>
      tpu.wait_dma2 semaphore(%run_scoped3A : memref<!tpu.dma_semaphore, #tpu.memory_space<semaphore_mem>>) src(%dma_wait3A_47 : memref<208x128xf32, #tpu.memory_space<vmem_shared>>) dst(%dma_wait3A_45 : memref<208x128xf32, #tpu.memory_space<hbm>>)
      tpu.yield
    }) : () -> ()
    %convert_element_type3A_39 = arith.extui %eq3A_0 : i1 to i32
    %cond3A_40 = arith.constant 0 : i32
    %cond3A_41 = arith.cmpi ne, %convert_element_type3A_39, %cond3A_40 : i32
    scf.if %cond3A_41 {
      %mul3A_42 = arith.constant 10000 : i32
      %mul3A_43 = arith.muli %arg0, %mul3A_42 : i32
      %add3A_44 = arith.constant 10000 : i32
      %add3A_45 = arith.addi %mul3A_43, %add3A_44 : i32
      %sub3A = arith.constant 16 : i32
      %sub3A_46 = arith.subi %add3A_45, %sub3A : i32
      "tpu.region"() ({
        %run_scoped3A = tpu.sem_alloc : memref<!tpu.dma_semaphore, #tpu.memory_space<semaphore_mem>>
        %dma_start3A = arith.constant 0 : i32
        %dma_start3A_47 = tpu.memref_slice %arg6[%sub3A_46, %dma_start3A] : memref<20000x128xf32, #tpu.memory_space<hbm>> -> memref<16x128xf32, #tpu.memory_space<hbm>>
        %dma_start3A_48 = arith.constant 9984 : i32
        %dma_start3A_49 = arith.constant 0 : i32
        %dma_start3A_50 = tpu.memref_slice %arg7[%dma_start3A_48, %dma_start3A_49] : memref<10016x128xf32, #tpu.memory_space<vmem_shared>> -> memref<16x128xf32, #tpu.memory_space<vmem_shared>>
        tpu.enqueue_dma source(%dma_start3A_50 : memref<16x128xf32, #tpu.memory_space<vmem_shared>>) target(%dma_start3A_47 : memref<16x128xf32, #tpu.memory_space<hbm>>) target_semaphore(%run_scoped3A : memref<!tpu.dma_semaphore, #tpu.memory_space<semaphore_mem>>)
        %dma_wait3A = arith.constant 0 : i32
        %dma_wait3A_51 = tpu.memref_slice %arg6[%sub3A_46, %dma_wait3A] : memref<20000x128xf32, #tpu.memory_space<hbm>> -> memref<16x128xf32, #tpu.memory_space<hbm>>
        %dma_wait3A_52 = arith.constant 9984 : i32
        %dma_wait3A_53 = arith.constant 0 : i32
        %dma_wait3A_54 = tpu.memref_slice %arg7[%dma_wait3A_52, %dma_wait3A_53] : memref<10016x128xf32, #tpu.memory_space<vmem_shared>> -> memref<16x128xf32, #tpu.memory_space<vmem_shared>>
        tpu.wait_dma2 semaphore(%run_scoped3A : memref<!tpu.dma_semaphore, #tpu.memory_space<semaphore_mem>>) src(%dma_wait3A_54 : memref<16x128xf32, #tpu.memory_space<vmem_shared>>) dst(%dma_wait3A_51 : memref<16x128xf32, #tpu.memory_space<hbm>>)
        tpu.yield
      }) : () -> ()
    } else {
    }
    return
  }
}

#map = affine_map<(d0, d1) -> (0, 0)>
#map1 = affine_map<(d0, d1) -> (0)>
module attributes {stable_mosaic.version = 14 : i64} {
  func.func @k(%arg0: i32, %arg1: i32, %arg2: memref<20000x128xf32, #tpu.memory_space<hbm>>, %arg3: memref<323584xi32, #tpu.memory_space<hbm>>, %arg4: memref<161792xi32, #tpu.memory_space<hbm>>, %arg5: memref<624x128xf32, #tpu.memory_space<hbm>>, %arg6: memref<20000x128xf32, #tpu.memory_space<hbm>>, %arg7: memref<10016x128xf32, #tpu.memory_space<vmem_shared>>, %arg8: memref<128xi32, #tpu.memory_space<vmem>>, %arg9: memref<128xi32, #tpu.memory_space<vmem>>, %arg10: memref<128x128xf32, #tpu.memory_space<vmem>>, %arg11: memref<!tpu.dma_semaphore, #tpu.memory_space<semaphore_mem>>) attributes {dimension_semantics = [#tpu.dimension_semantics<core_parallel>, #tpu.dimension_semantics<subcore_parallel>], iteration_bounds = array<i64: 2, 16>, scalar_prefetch = 0 : i64, scratch_operands = 5 : i64, tpu.core_type = #tpu.core_type<sc_vector_subcore>, window_params = [{transform_indices = #map}, {transform_indices = #map1}, {transform_indices = #map1}, {transform_indices = #map}, {transform_indices = #map}]} {
    %eq3A = arith.constant 15 : i32
    %eq3A_0 = arith.cmpi eq, %arg1, %eq3A : i32
    %mul3A = arith.constant 624 : i32
    %mul3A_1 = arith.muli %arg1, %mul3A : i32
    %mul3A_2 = arith.constant 10112 : i32
    %mul3A_3 = arith.muli %arg1, %mul3A_2 : i32
    %mul3A_4 = arith.constant 161792 : i32
    %mul3A_5 = arith.muli %arg0, %mul3A_4 : i32
    %add3A = arith.addi %mul3A_5, %mul3A_3 : i32
    %add3A_6 = arith.constant 0 : i32
    %add3A_7 = arith.addi %mul3A_1, %add3A_6 : i32
    "tpu.region"() ({
      %run_scoped3A = tpu.sem_alloc : memref<!tpu.dma_semaphore, #tpu.memory_space<semaphore_mem>>
      %dma_start3A = arith.constant 0 : i32
      %dma_start3A_42 = tpu.memref_slice %arg7[%add3A_7, %dma_start3A] : memref<10016x128xf32, #tpu.memory_space<vmem_shared>> -> memref<208x128xf32, #tpu.memory_space<vmem_shared>>
      %dma_start3A_43 = arith.constant 0 : i32
      %dma_start3A_44 = arith.constant 0 : i32
      %dma_start3A_45 = tpu.memref_slice %arg5[%dma_start3A_43, %dma_start3A_44] : memref<624x128xf32, #tpu.memory_space<hbm>> -> memref<208x128xf32, #tpu.memory_space<hbm>>
      tpu.enqueue_dma source(%dma_start3A_45 : memref<208x128xf32, #tpu.memory_space<hbm>>) target(%dma_start3A_42 : memref<208x128xf32, #tpu.memory_space<vmem_shared>>) target_semaphore(%run_scoped3A : memref<!tpu.dma_semaphore, #tpu.memory_space<semaphore_mem>>)
      %dma_wait3A = arith.constant 0 : i32
      %dma_wait3A_46 = tpu.memref_slice %arg7[%add3A_7, %dma_wait3A] : memref<10016x128xf32, #tpu.memory_space<vmem_shared>> -> memref<208x128xf32, #tpu.memory_space<vmem_shared>>
      %dma_wait3A_47 = arith.constant 0 : i32
      %dma_wait3A_48 = arith.constant 0 : i32
      %dma_wait3A_49 = tpu.memref_slice %arg5[%dma_wait3A_47, %dma_wait3A_48] : memref<624x128xf32, #tpu.memory_space<hbm>> -> memref<208x128xf32, #tpu.memory_space<hbm>>
      tpu.wait_dma2 semaphore(%run_scoped3A : memref<!tpu.dma_semaphore, #tpu.memory_space<semaphore_mem>>) src(%dma_wait3A_49 : memref<208x128xf32, #tpu.memory_space<hbm>>) dst(%dma_wait3A_46 : memref<208x128xf32, #tpu.memory_space<vmem_shared>>)
      tpu.yield
    }) : () -> ()
    %add3A_8 = arith.constant 208 : i32
    %add3A_9 = arith.addi %mul3A_1, %add3A_8 : i32
    "tpu.region"() ({
      %run_scoped3A = tpu.sem_alloc : memref<!tpu.dma_semaphore, #tpu.memory_space<semaphore_mem>>
      %dma_start3A = arith.constant 0 : i32
      %dma_start3A_42 = tpu.memref_slice %arg7[%add3A_9, %dma_start3A] : memref<10016x128xf32, #tpu.memory_space<vmem_shared>> -> memref<208x128xf32, #tpu.memory_space<vmem_shared>>
      %dma_start3A_43 = arith.constant 208 : i32
      %dma_start3A_44 = arith.constant 0 : i32
      %dma_start3A_45 = tpu.memref_slice %arg5[%dma_start3A_43, %dma_start3A_44] : memref<624x128xf32, #tpu.memory_space<hbm>> -> memref<208x128xf32, #tpu.memory_space<hbm>>
      tpu.enqueue_dma source(%dma_start3A_45 : memref<208x128xf32, #tpu.memory_space<hbm>>) target(%dma_start3A_42 : memref<208x128xf32, #tpu.memory_space<vmem_shared>>) target_semaphore(%run_scoped3A : memref<!tpu.dma_semaphore, #tpu.memory_space<semaphore_mem>>)
      %dma_wait3A = arith.constant 0 : i32
      %dma_wait3A_46 = tpu.memref_slice %arg7[%add3A_9, %dma_wait3A] : memref<10016x128xf32, #tpu.memory_space<vmem_shared>> -> memref<208x128xf32, #tpu.memory_space<vmem_shared>>
      %dma_wait3A_47 = arith.constant 208 : i32
      %dma_wait3A_48 = arith.constant 0 : i32
      %dma_wait3A_49 = tpu.memref_slice %arg5[%dma_wait3A_47, %dma_wait3A_48] : memref<624x128xf32, #tpu.memory_space<hbm>> -> memref<208x128xf32, #tpu.memory_space<hbm>>
      tpu.wait_dma2 semaphore(%run_scoped3A : memref<!tpu.dma_semaphore, #tpu.memory_space<semaphore_mem>>) src(%dma_wait3A_49 : memref<208x128xf32, #tpu.memory_space<hbm>>) dst(%dma_wait3A_46 : memref<208x128xf32, #tpu.memory_space<vmem_shared>>)
      tpu.yield
    }) : () -> ()
    %add3A_10 = arith.constant 416 : i32
    %add3A_11 = arith.addi %mul3A_1, %add3A_10 : i32
    "tpu.region"() ({
      %run_scoped3A = tpu.sem_alloc : memref<!tpu.dma_semaphore, #tpu.memory_space<semaphore_mem>>
      %dma_start3A = arith.constant 0 : i32
      %dma_start3A_42 = tpu.memref_slice %arg7[%add3A_11, %dma_start3A] : memref<10016x128xf32, #tpu.memory_space<vmem_shared>> -> memref<208x128xf32, #tpu.memory_space<vmem_shared>>
      %dma_start3A_43 = arith.constant 416 : i32
      %dma_start3A_44 = arith.constant 0 : i32
      %dma_start3A_45 = tpu.memref_slice %arg5[%dma_start3A_43, %dma_start3A_44] : memref<624x128xf32, #tpu.memory_space<hbm>> -> memref<208x128xf32, #tpu.memory_space<hbm>>
      tpu.enqueue_dma source(%dma_start3A_45 : memref<208x128xf32, #tpu.memory_space<hbm>>) target(%dma_start3A_42 : memref<208x128xf32, #tpu.memory_space<vmem_shared>>) target_semaphore(%run_scoped3A : memref<!tpu.dma_semaphore, #tpu.memory_space<semaphore_mem>>)
      %dma_wait3A = arith.constant 0 : i32
      %dma_wait3A_46 = tpu.memref_slice %arg7[%add3A_11, %dma_wait3A] : memref<10016x128xf32, #tpu.memory_space<vmem_shared>> -> memref<208x128xf32, #tpu.memory_space<vmem_shared>>
      %dma_wait3A_47 = arith.constant 416 : i32
      %dma_wait3A_48 = arith.constant 0 : i32
      %dma_wait3A_49 = tpu.memref_slice %arg5[%dma_wait3A_47, %dma_wait3A_48] : memref<624x128xf32, #tpu.memory_space<hbm>> -> memref<208x128xf32, #tpu.memory_space<hbm>>
      tpu.wait_dma2 semaphore(%run_scoped3A : memref<!tpu.dma_semaphore, #tpu.memory_space<semaphore_mem>>) src(%dma_wait3A_49 : memref<208x128xf32, #tpu.memory_space<hbm>>) dst(%dma_wait3A_46 : memref<208x128xf32, #tpu.memory_space<vmem_shared>>)
      tpu.yield
    }) : () -> ()
    %convert_element_type3A = arith.extui %eq3A_0 : i1 to i32
    %cond3A = arith.constant 0 : i32
    %cond3A_12 = arith.cmpi ne, %convert_element_type3A, %cond3A : i32
    scf.if %cond3A_12 {
      "tpu.region"() ({
        %run_scoped3A = tpu.sem_alloc : memref<!tpu.dma_semaphore, #tpu.memory_space<semaphore_mem>>
        %dma_start3A = arith.constant 9984 : i32
        %dma_start3A_42 = arith.constant 0 : i32
        %dma_start3A_43 = tpu.memref_slice %arg7[%dma_start3A, %dma_start3A_42] : memref<10016x128xf32, #tpu.memory_space<vmem_shared>> -> memref<16x128xf32, #tpu.memory_space<vmem_shared>>
        %dma_start3A_44 = arith.constant 0 : i32
        %dma_start3A_45 = arith.constant 0 : i32
        %dma_start3A_46 = tpu.memref_slice %arg5[%dma_start3A_44, %dma_start3A_45] : memref<624x128xf32, #tpu.memory_space<hbm>> -> memref<16x128xf32, #tpu.memory_space<hbm>>
        tpu.enqueue_dma source(%dma_start3A_46 : memref<16x128xf32, #tpu.memory_space<hbm>>) target(%dma_start3A_43 : memref<16x128xf32, #tpu.memory_space<vmem_shared>>) target_semaphore(%run_scoped3A : memref<!tpu.dma_semaphore, #tpu.memory_space<semaphore_mem>>)
        %dma_wait3A = arith.constant 9984 : i32
        %dma_wait3A_47 = arith.constant 0 : i32
        %dma_wait3A_48 = tpu.memref_slice %arg7[%dma_wait3A, %dma_wait3A_47] : memref<10016x128xf32, #tpu.memory_space<vmem_shared>> -> memref<16x128xf32, #tpu.memory_space<vmem_shared>>
        %dma_wait3A_49 = arith.constant 0 : i32
        %dma_wait3A_50 = arith.constant 0 : i32
        %dma_wait3A_51 = tpu.memref_slice %arg5[%dma_wait3A_49, %dma_wait3A_50] : memref<624x128xf32, #tpu.memory_space<hbm>> -> memref<16x128xf32, #tpu.memory_space<hbm>>
        tpu.wait_dma2 semaphore(%run_scoped3A : memref<!tpu.dma_semaphore, #tpu.memory_space<semaphore_mem>>) src(%dma_wait3A_51 : memref<16x128xf32, #tpu.memory_space<hbm>>) dst(%dma_wait3A_48 : memref<16x128xf32, #tpu.memory_space<vmem_shared>>)
        tpu.yield
      }) : () -> ()
    } else {
    }
    %barrier3A = arith.constant 0 : index
    tpu.barrier barrier_id(%barrier3A)
    %scan3A = arith.constant 0 : i32
    %scan3A_13 = arith.constant 79 : i32
    %scan3A_14 = arith.addi %scan3A, %scan3A_13 : i32
    %scan3A_15 = arith.constant 1 : i32
    scf.for %scan3A_42 = %scan3A to %scan3A_14 step %scan3A_15  : i32 {
      %mul3A_43 = arith.constant 1 : i32
      %mul3A_44 = arith.muli %scan3A_42, %mul3A_43 : i32
      %add3A_45 = arith.constant 0 : i32
      %add3A_46 = arith.addi %add3A_45, %mul3A_44 : i32
      %mul3A_47 = arith.constant 128 : i32
      %mul3A_48 = arith.muli %add3A_46, %mul3A_47 : i32
      %add3A_49 = arith.addi %add3A, %mul3A_48 : i32
      "tpu.region"() ({
        %run_scoped3A = tpu.sem_alloc : memref<!tpu.dma_semaphore, #tpu.memory_space<semaphore_mem>>
        %dma_start3A_63 = tpu.memref_slice %arg3[%add3A_49] : memref<323584xi32, #tpu.memory_space<hbm>> -> memref<128xi32, #tpu.memory_space<hbm>>
        %dma_start3A_64 = tpu.memref_slice %arg3[%add3A_49] : memref<323584xi32, #tpu.memory_space<hbm>> -> memref<128xi32, #tpu.memory_space<hbm>>
        tpu.enqueue_dma source(%dma_start3A_64 : memref<128xi32, #tpu.memory_space<hbm>>) target(%arg8 : memref<128xi32, #tpu.memory_space<vmem>>) target_semaphore(%run_scoped3A : memref<!tpu.dma_semaphore, #tpu.memory_space<semaphore_mem>>)
        %dma_wait3A_65 = tpu.memref_slice %arg3[%add3A_49] : memref<323584xi32, #tpu.memory_space<hbm>> -> memref<128xi32, #tpu.memory_space<hbm>>
        %dma_wait3A_66 = tpu.memref_slice %arg3[%add3A_49] : memref<323584xi32, #tpu.memory_space<hbm>> -> memref<128xi32, #tpu.memory_space<hbm>>
        tpu.wait_dma2 semaphore(%run_scoped3A : memref<!tpu.dma_semaphore, #tpu.memory_space<semaphore_mem>>) src(%dma_wait3A_66 : memref<128xi32, #tpu.memory_space<hbm>>) dst(%arg8 : memref<128xi32, #tpu.memory_space<vmem>>)
        tpu.yield
      }) : () -> ()
      %mul3A_50 = arith.constant 128 : i32
      %mul3A_51 = arith.muli %add3A_46, %mul3A_50 : i32
      %add3A_52 = arith.addi %mul3A_3, %mul3A_51 : i32
      "tpu.region"() ({
        %run_scoped3A = tpu.sem_alloc : memref<!tpu.dma_semaphore, #tpu.memory_space<semaphore_mem>>
        %dma_start3A_63 = tpu.memref_slice %arg4[%add3A_52] : memref<161792xi32, #tpu.memory_space<hbm>> -> memref<128xi32, #tpu.memory_space<hbm>>
        %dma_start3A_64 = tpu.memref_slice %arg4[%add3A_52] : memref<161792xi32, #tpu.memory_space<hbm>> -> memref<128xi32, #tpu.memory_space<hbm>>
        tpu.enqueue_dma source(%dma_start3A_64 : memref<128xi32, #tpu.memory_space<hbm>>) target(%arg9 : memref<128xi32, #tpu.memory_space<vmem>>) target_semaphore(%run_scoped3A : memref<!tpu.dma_semaphore, #tpu.memory_space<semaphore_mem>>)
        %dma_wait3A_65 = tpu.memref_slice %arg4[%add3A_52] : memref<161792xi32, #tpu.memory_space<hbm>> -> memref<128xi32, #tpu.memory_space<hbm>>
        %dma_wait3A_66 = tpu.memref_slice %arg4[%add3A_52] : memref<161792xi32, #tpu.memory_space<hbm>> -> memref<128xi32, #tpu.memory_space<hbm>>
        tpu.wait_dma2 semaphore(%run_scoped3A : memref<!tpu.dma_semaphore, #tpu.memory_space<semaphore_mem>>) src(%dma_wait3A_66 : memref<128xi32, #tpu.memory_space<hbm>>) dst(%arg9 : memref<128xi32, #tpu.memory_space<vmem>>)
        tpu.yield
      }) : () -> ()
      %dma_start3A = arith.constant 0 : i32
      %dma_start3A_53 = arith.constant 0 : i32
      %dma_start3A_54 = tpu.memref_slice %arg2[%dma_start3A, %dma_start3A_53] : memref<20000x128xf32, #tpu.memory_space<hbm>> -> memref<20000x128xf32, #tpu.memory_space<hbm>>
      tpu.enqueue_indirect_dma source(%dma_start3A_54 : memref<20000x128xf32, #tpu.memory_space<hbm>>) target(%arg10 : memref<128x128xf32, #tpu.memory_space<vmem>>) offsets(%arg8 : memref<128xi32, #tpu.memory_space<vmem>>) semaphore(%arg11 : memref<!tpu.dma_semaphore, #tpu.memory_space<semaphore_mem>>)
      %dma_wait3A = arith.constant 0 : i32
      %dma_wait3A_55 = arith.constant 0 : i32
      %dma_wait3A_56 = tpu.memref_slice %arg2[%dma_wait3A, %dma_wait3A_55] : memref<20000x128xf32, #tpu.memory_space<hbm>> -> memref<20000x128xf32, #tpu.memory_space<hbm>>
      tpu.wait_indirect_dma semaphore(%arg11 : memref<!tpu.dma_semaphore, #tpu.memory_space<semaphore_mem>>) src(%dma_wait3A_56 : memref<20000x128xf32, #tpu.memory_space<hbm>>) dst(%arg10 : memref<128x128xf32, #tpu.memory_space<vmem>>)
      %dma_start3A_57 = arith.constant 0 : i32
      %dma_start3A_58 = arith.constant 0 : i32
      %dma_start3A_59 = tpu.memref_slice %arg7[%dma_start3A_57, %dma_start3A_58] : memref<10016x128xf32, #tpu.memory_space<vmem_shared>> -> memref<10016x128xf32, #tpu.memory_space<vmem_shared>>
      tpu.enqueue_indirect_dma source(%arg10 : memref<128x128xf32, #tpu.memory_space<vmem>>) target(%dma_start3A_59 : memref<10016x128xf32, #tpu.memory_space<vmem_shared>>) offsets(%arg9 : memref<128xi32, #tpu.memory_space<vmem>>) semaphore(%arg11 : memref<!tpu.dma_semaphore, #tpu.memory_space<semaphore_mem>>) {add = true}
      %dma_wait3A_60 = arith.constant 0 : i32
      %dma_wait3A_61 = arith.constant 0 : i32
      %dma_wait3A_62 = tpu.memref_slice %arg7[%dma_wait3A_60, %dma_wait3A_61] : memref<10016x128xf32, #tpu.memory_space<vmem_shared>> -> memref<10016x128xf32, #tpu.memory_space<vmem_shared>>
      tpu.wait_indirect_dma semaphore(%arg11 : memref<!tpu.dma_semaphore, #tpu.memory_space<semaphore_mem>>) src(%arg10 : memref<128x128xf32, #tpu.memory_space<vmem>>) dst(%dma_wait3A_62 : memref<10016x128xf32, #tpu.memory_space<vmem_shared>>)
    }
    %scan3A_16 = arith.constant 79 : i32
    %barrier3A_17 = arith.constant 0 : index
    tpu.barrier barrier_id(%barrier3A_17)
    %add3A_18 = arith.constant 0 : i32
    %add3A_19 = arith.addi %mul3A_1, %add3A_18 : i32
    %mul3A_20 = arith.constant 10000 : i32
    %mul3A_21 = arith.muli %arg0, %mul3A_20 : i32
    %add3A_22 = arith.addi %mul3A_21, %mul3A_1 : i32
    %add3A_23 = arith.constant 0 : i32
    %add3A_24 = arith.addi %add3A_22, %add3A_23 : i32
    "tpu.region"() ({
      %run_scoped3A = tpu.sem_alloc : memref<!tpu.dma_semaphore, #tpu.memory_space<semaphore_mem>>
      %dma_start3A = arith.constant 0 : i32
      %dma_start3A_42 = tpu.memref_slice %arg6[%add3A_24, %dma_start3A] : memref<20000x128xf32, #tpu.memory_space<hbm>> -> memref<208x128xf32, #tpu.memory_space<hbm>>
      %dma_start3A_43 = arith.constant 0 : i32
      %dma_start3A_44 = tpu.memref_slice %arg7[%add3A_19, %dma_start3A_43] : memref<10016x128xf32, #tpu.memory_space<vmem_shared>> -> memref<208x128xf32, #tpu.memory_space<vmem_shared>>
      tpu.enqueue_dma source(%dma_start3A_44 : memref<208x128xf32, #tpu.memory_space<vmem_shared>>) target(%dma_start3A_42 : memref<208x128xf32, #tpu.memory_space<hbm>>) target_semaphore(%run_scoped3A : memref<!tpu.dma_semaphore, #tpu.memory_space<semaphore_mem>>)
      %dma_wait3A = arith.constant 0 : i32
      %dma_wait3A_45 = tpu.memref_slice %arg6[%add3A_24, %dma_wait3A] : memref<20000x128xf32, #tpu.memory_space<hbm>> -> memref<208x128xf32, #tpu.memory_space<hbm>>
      %dma_wait3A_46 = arith.constant 0 : i32
      %dma_wait3A_47 = tpu.memref_slice %arg7[%add3A_19, %dma_wait3A_46] : memref<10016x128xf32, #tpu.memory_space<vmem_shared>> -> memref<208x128xf32, #tpu.memory_space<vmem_shared>>
      tpu.wait_dma2 semaphore(%run_scoped3A : memref<!tpu.dma_semaphore, #tpu.memory_space<semaphore_mem>>) src(%dma_wait3A_47 : memref<208x128xf32, #tpu.memory_space<vmem_shared>>) dst(%dma_wait3A_45 : memref<208x128xf32, #tpu.memory_space<hbm>>)
      tpu.yield
    }) : () -> ()
    %add3A_25 = arith.constant 208 : i32
    %add3A_26 = arith.addi %mul3A_1, %add3A_25 : i32
    %mul3A_27 = arith.constant 10000 : i32
    %mul3A_28 = arith.muli %arg0, %mul3A_27 : i32
    %add3A_29 = arith.addi %mul3A_28, %mul3A_1 : i32
    %add3A_30 = arith.constant 208 : i32
    %add3A_31 = arith.addi %add3A_29, %add3A_30 : i32
    "tpu.region"() ({
      %run_scoped3A = tpu.sem_alloc : memref<!tpu.dma_semaphore, #tpu.memory_space<semaphore_mem>>
      %dma_start3A = arith.constant 0 : i32
      %dma_start3A_42 = tpu.memref_slice %arg6[%add3A_31, %dma_start3A] : memref<20000x128xf32, #tpu.memory_space<hbm>> -> memref<208x128xf32, #tpu.memory_space<hbm>>
      %dma_start3A_43 = arith.constant 0 : i32
      %dma_start3A_44 = tpu.memref_slice %arg7[%add3A_26, %dma_start3A_43] : memref<10016x128xf32, #tpu.memory_space<vmem_shared>> -> memref<208x128xf32, #tpu.memory_space<vmem_shared>>
      tpu.enqueue_dma source(%dma_start3A_44 : memref<208x128xf32, #tpu.memory_space<vmem_shared>>) target(%dma_start3A_42 : memref<208x128xf32, #tpu.memory_space<hbm>>) target_semaphore(%run_scoped3A : memref<!tpu.dma_semaphore, #tpu.memory_space<semaphore_mem>>)
      %dma_wait3A = arith.constant 0 : i32
      %dma_wait3A_45 = tpu.memref_slice %arg6[%add3A_31, %dma_wait3A] : memref<20000x128xf32, #tpu.memory_space<hbm>> -> memref<208x128xf32, #tpu.memory_space<hbm>>
      %dma_wait3A_46 = arith.constant 0 : i32
      %dma_wait3A_47 = tpu.memref_slice %arg7[%add3A_26, %dma_wait3A_46] : memref<10016x128xf32, #tpu.memory_space<vmem_shared>> -> memref<208x128xf32, #tpu.memory_space<vmem_shared>>
      tpu.wait_dma2 semaphore(%run_scoped3A : memref<!tpu.dma_semaphore, #tpu.memory_space<semaphore_mem>>) src(%dma_wait3A_47 : memref<208x128xf32, #tpu.memory_space<vmem_shared>>) dst(%dma_wait3A_45 : memref<208x128xf32, #tpu.memory_space<hbm>>)
      tpu.yield
    }) : () -> ()
    %add3A_32 = arith.constant 416 : i32
    %add3A_33 = arith.addi %mul3A_1, %add3A_32 : i32
    %mul3A_34 = arith.constant 10000 : i32
    %mul3A_35 = arith.muli %arg0, %mul3A_34 : i32
    %add3A_36 = arith.addi %mul3A_35, %mul3A_1 : i32
    %add3A_37 = arith.constant 416 : i32
    %add3A_38 = arith.addi %add3A_36, %add3A_37 : i32
    "tpu.region"() ({
      %run_scoped3A = tpu.sem_alloc : memref<!tpu.dma_semaphore, #tpu.memory_space<semaphore_mem>>
      %dma_start3A = arith.constant 0 : i32
      %dma_start3A_42 = tpu.memref_slice %arg6[%add3A_38, %dma_start3A] : memref<20000x128xf32, #tpu.memory_space<hbm>> -> memref<208x128xf32, #tpu.memory_space<hbm>>
      %dma_start3A_43 = arith.constant 0 : i32
      %dma_start3A_44 = tpu.memref_slice %arg7[%add3A_33, %dma_start3A_43] : memref<10016x128xf32, #tpu.memory_space<vmem_shared>> -> memref<208x128xf32, #tpu.memory_space<vmem_shared>>
      tpu.enqueue_dma source(%dma_start3A_44 : memref<208x128xf32, #tpu.memory_space<vmem_shared>>) target(%dma_start3A_42 : memref<208x128xf32, #tpu.memory_space<hbm>>) target_semaphore(%run_scoped3A : memref<!tpu.dma_semaphore, #tpu.memory_space<semaphore_mem>>)
      %dma_wait3A = arith.constant 0 : i32
      %dma_wait3A_45 = tpu.memref_slice %arg6[%add3A_38, %dma_wait3A] : memref<20000x128xf32, #tpu.memory_space<hbm>> -> memref<208x128xf32, #tpu.memory_space<hbm>>
      %dma_wait3A_46 = arith.constant 0 : i32
      %dma_wait3A_47 = tpu.memref_slice %arg7[%add3A_33, %dma_wait3A_46] : memref<10016x128xf32, #tpu.memory_space<vmem_shared>> -> memref<208x128xf32, #tpu.memory_space<vmem_shared>>
      tpu.wait_dma2 semaphore(%run_scoped3A : memref<!tpu.dma_semaphore, #tpu.memory_space<semaphore_mem>>) src(%dma_wait3A_47 : memref<208x128xf32, #tpu.memory_space<vmem_shared>>) dst(%dma_wait3A_45 : memref<208x128xf32, #tpu.memory_space<hbm>>)
      tpu.yield
    }) : () -> ()
    %convert_element_type3A_39 = arith.extui %eq3A_0 : i1 to i32
    %cond3A_40 = arith.constant 0 : i32
    %cond3A_41 = arith.cmpi ne, %convert_element_type3A_39, %cond3A_40 : i32
    scf.if %cond3A_41 {
      %mul3A_42 = arith.constant 10000 : i32
      %mul3A_43 = arith.muli %arg0, %mul3A_42 : i32
      %add3A_44 = arith.constant 10000 : i32
      %add3A_45 = arith.addi %mul3A_43, %add3A_44 : i32
      %sub3A = arith.constant 16 : i32
      %sub3A_46 = arith.subi %add3A_45, %sub3A : i32
      "tpu.region"() ({
        %run_scoped3A = tpu.sem_alloc : memref<!tpu.dma_semaphore, #tpu.memory_space<semaphore_mem>>
        %dma_start3A = arith.constant 0 : i32
        %dma_start3A_47 = tpu.memref_slice %arg6[%sub3A_46, %dma_start3A] : memref<20000x128xf32, #tpu.memory_space<hbm>> -> memref<16x128xf32, #tpu.memory_space<hbm>>
        %dma_start3A_48 = arith.constant 9984 : i32
        %dma_start3A_49 = arith.constant 0 : i32
        %dma_start3A_50 = tpu.memref_slice %arg7[%dma_start3A_48, %dma_start3A_49] : memref<10016x128xf32, #tpu.memory_space<vmem_shared>> -> memref<16x128xf32, #tpu.memory_space<vmem_shared>>
        tpu.enqueue_dma source(%dma_start3A_50 : memref<16x128xf32, #tpu.memory_space<vmem_shared>>) target(%dma_start3A_47 : memref<16x128xf32, #tpu.memory_space<hbm>>) target_semaphore(%run_scoped3A : memref<!tpu.dma_semaphore, #tpu.memory_space<semaphore_mem>>)
        %dma_wait3A = arith.constant 0 : i32
        %dma_wait3A_51 = tpu.memref_slice %arg6[%sub3A_46, %dma_wait3A] : memref<20000x128xf32, #tpu.memory_space<hbm>> -> memref<16x128xf32, #tpu.memory_space<hbm>>
        %dma_wait3A_52 = arith.constant 9984 : i32
        %dma_wait3A_53 = arith.constant 0 : i32
        %dma_wait3A_54 = tpu.memref_slice %arg7[%dma_wait3A_52, %dma_wait3A_53] : memref<10016x128xf32, #tpu.memory_space<vmem_shared>> -> memref<16x128xf32, #tpu.memory_space<vmem_shared>>
        tpu.wait_dma2 semaphore(%run_scoped3A : memref<!tpu.dma_semaphore, #tpu.memory_space<semaphore_mem>>) src(%dma_wait3A_54 : memref<16x128xf32, #tpu.memory_space<vmem_shared>>) dst(%dma_wait3A_51 : memref<16x128xf32, #tpu.memory_space<hbm>>)
        tpu.yield
      }) : () -> ()
    } else {
    }
    return
  }
}

module attributes {stable_mosaic.version = 14 : i64} {
  func.func @_mm_gate_body(%arg0: i32, %arg1: memref<1000x128xf32, #tpu.memory_space<vmem>>, %arg2: memref<1000x64xf32, #tpu.memory_space<vmem>>, %arg3: memref<192x128xf32, #tpu.memory_space<vmem>>, %arg4: memref<1000x128xf32, #tpu.memory_space<vmem>>) attributes {dimension_semantics = [#tpu.dimension_semantics<arbitrary>], iteration_bounds = array<i64: 40>, scalar_prefetch = 0 : i64, scratch_operands = 0 : i64, tpu.core_type = #tpu.core_type<tc>, window_params = [{transform_indices = @transform_0, window_bounds = array<i64: 1000, 128>}, {transform_indices = @transform_1, window_bounds = array<i64: 1000, 64>}, {pipeline_mode = #tpu.pipeline_mode<synchronous>, transform_indices = @transform_2, window_bounds = array<i64: 192, 128>}, {transform_indices = @transform_3, window_bounds = array<i64: 1000, 128>}]} {
    %get3A = arith.constant 0 : index
    %get3A_0 = arith.constant 0 : index
    %get3A_1 = vector.load %arg1[%get3A, %get3A_0] : memref<1000x128xf32, #tpu.memory_space<vmem>>, vector<1000x128xf32>
    %get3A_2 = arith.constant 0 : index
    %get3A_3 = arith.constant 0 : index
    %get3A_4 = vector.load %arg3[%get3A_2, %get3A_3] : memref<192x128xf32, #tpu.memory_space<vmem>>, vector<128x128xf32>
    %dot_general3A = arith.constant dense<0.000000e+00> : vector<1000x128xf32>
    %dot_general3A_5 = tpu.matmul %get3A_1, %get3A_4, %dot_general3A {dimension_numbers = #tpu.dot_dimension_numbers<[1], [0], [0], [1], [0, 0, 1, 1], [], []>, transpose_lhs_hint = false} : vector<1000x128xf32>, vector<128x128xf32>, vector<1000x128xf32> -> vector<1000x128xf32>
    %get3A_6 = arith.constant 0 : index
    %get3A_7 = arith.constant 0 : index
    %get3A_8 = vector.load %arg2[%get3A_6, %get3A_7] : memref<1000x64xf32, #tpu.memory_space<vmem>>, vector<1000x64xf32>
    %get3A_9 = arith.constant 128 : index
    %get3A_10 = arith.constant 0 : index
    %get3A_11 = vector.load %arg3[%get3A_9, %get3A_10] : memref<192x128xf32, #tpu.memory_space<vmem>>, vector<64x128xf32>
    %dot_general3A_12 = arith.constant dense<0.000000e+00> : vector<1000x128xf32>
    %dot_general3A_13 = tpu.matmul %get3A_8, %get3A_11, %dot_general3A_12 {dimension_numbers = #tpu.dot_dimension_numbers<[1], [0], [0], [1], [0, 0, 1, 1], [], []>, transpose_lhs_hint = false} : vector<1000x64xf32>, vector<64x128xf32>, vector<1000x128xf32> -> vector<1000x128xf32>
    %add3A = arith.addf %dot_general3A_5, %dot_general3A_13 : vector<1000x128xf32>
    %swap3A = arith.constant 0 : index
    %swap3A_14 = arith.constant 0 : index
    %swap3A_15 = vector.load %arg4[%swap3A, %swap3A_14] : memref<1000x128xf32, #tpu.memory_space<vmem>>, vector<1000x128xf32>
    tpu.vector_store %arg4[%swap3A, %swap3A_14], %add3A {strides = array<i32>} : memref<1000x128xf32, #tpu.memory_space<vmem>>, vector<1000x128xf32>,
    return
  }
  func.func @transform_0(%arg0: i32) -> (i32, i32) {
    %c0_i32 = arith.constant 0 : i32
    %c0_i32_0 = arith.constant 0 : i32
    return %arg0, %c0_i32 : i32, i32
  }
  func.func @transform_1(%arg0: i32) -> (i32, i32) {
    %c0_i32 = arith.constant 0 : i32
    %c0_i32_0 = arith.constant 0 : i32
    return %arg0, %c0_i32 : i32, i32
  }
  func.func @transform_2(%arg0: i32) -> (i32, i32) {
    %c0_i32 = arith.constant 0 : i32
    %c0_i32_0 = arith.constant 0 : i32
    %c0_i32_1 = arith.constant 0 : i32
    return %c0_i32, %c0_i32_0 : i32, i32
  }
  func.func @transform_3(%arg0: i32) -> (i32, i32) {
    %c0_i32 = arith.constant 0 : i32
    %c0_i32_0 = arith.constant 0 : i32
    return %arg0, %c0_i32 : i32, i32
  }
}

module attributes {stable_mosaic.version = 14 : i64} {
  func.func @_gate_update_body(%arg0: i32, %arg1: memref<1x2x1000x128xf32, #tpu.memory_space<vmem>>, %arg2: memref<1x2x1000x64xf32, #tpu.memory_space<vmem>>, %arg3: memref<1x2x1000x128xf32, #tpu.memory_space<vmem>>, %arg4: memref<1000x16xf32, #tpu.memory_space<vmem>>, %arg5: memref<192x64xf32, #tpu.memory_space<vmem>>, %arg6: memref<1x128xf32, #tpu.memory_space<vmem>>, %arg7: memref<1x1000x128xf32, #tpu.memory_space<vmem>>, %arg8: memref<1x1000x128xf32, #tpu.memory_space<vmem>>) attributes {dimension_semantics = [#tpu.dimension_semantics<arbitrary>], iteration_bounds = array<i64: 20>, scalar_prefetch = 0 : i64, scratch_operands = 0 : i64, tpu.core_type = #tpu.core_type<tc>, window_params = [{transform_indices = @transform_0, window_bounds = array<i64: 1, 2, 1000, 128>}, {transform_indices = @transform_1, window_bounds = array<i64: 1, 2, 1000, 64>}, {transform_indices = @transform_2, window_bounds = array<i64: 1, 2, 1000, 128>}, {transform_indices = @transform_3, window_bounds = array<i64: 1000, 16>}, {pipeline_mode = #tpu.pipeline_mode<synchronous>, transform_indices = @transform_4, window_bounds = array<i64: 192, 64>}, {pipeline_mode = #tpu.pipeline_mode<synchronous>, transform_indices = @transform_5, window_bounds = array<i64: 1, 128>}, {transform_indices = @transform_6, window_bounds = array<i64: 1, 1000, 128>}, {transform_indices = @transform_7, window_bounds = array<i64: 1, 1000, 128>}]} {
    %get3A = arith.constant 0 : index
    %get3A_0 = arith.constant 0 : index
    %get3A_1 = vector.load %arg4[%get3A, %get3A_0] : memref<1000x16xf32, #tpu.memory_space<vmem>>, vector<1000x1xf32>
    %max3A = arith.constant 1.000000e+00 : f32
    %max3A_2 = vector.broadcast %max3A : f32 to vector<1000x1xf32>
    %max3A_3 = arith.maximumf %get3A_1, %max3A_2 : vector<1000x1xf32>
    %div3A = arith.constant 1.000000e+00 : f32
    %div3A_4 = vector.broadcast %div3A : f32 to vector<1000x1xf32>
    %div3A_5 = arith.divf %div3A_4, %max3A_3 : vector<1000x1xf32>
    %get3A_6 = arith.constant 0 : index
    %get3A_7 = arith.constant 0 : index
    %get3A_8 = arith.constant 0 : index
    %get3A_9 = arith.constant 0 : index
    %get3A_10 = vector.load %arg3[%get3A_6, %get3A_7, %get3A_8, %get3A_9] : memref<1x2x1000x128xf32, #tpu.memory_space<vmem>>, vector<1x1x1000x128xf32>
    %get3A_11 = vector.shape_cast %get3A_10 : vector<1x1x1000x128xf32> to vector<1000x128xf32>
    %mul3A = vector.broadcast %div3A_5 : vector<1000x1xf32> to vector<1000x128xf32>
    %mul3A_12 = arith.mulf %get3A_11, %mul3A : vector<1000x128xf32>
    %get3A_13 = arith.constant 0 : index
    %get3A_14 = arith.constant 0 : index
    %get3A_15 = vector.load %arg6[%get3A_13, %get3A_14] : memref<1x128xf32, #tpu.memory_space<vmem>>, vector<1x128xf32>
    %add3A = vector.broadcast %get3A_15 : vector<1x128xf32> to vector<1000x128xf32>
    %add3A_16 = arith.addf %mul3A_12, %add3A : vector<1000x128xf32>
    %logistic3A = arith.negf %add3A_16 : vector<1000x128xf32>
    %logistic3A_17 = math.exp %logistic3A : vector<1000x128xf32>
    %logistic3A_18 = arith.constant 1.000000e+00 : f32
    %logistic3A_19 = vector.broadcast %logistic3A_18 : f32 to vector<1000x128xf32>
    %logistic3A_20 = arith.addf %logistic3A_19, %logistic3A_17 : vector<1000x128xf32>
    %logistic3A_21 = arith.divf %logistic3A_19, %logistic3A_20 : vector<1000x128xf32>
    %slice3A = vector.extract_strided_slice %logistic3A_21 {offsets = [0, 0], sizes = [1000, 64], strides = [1, 1]} : vector<1000x128xf32> to vector<1000x64xf32>
    %slice3A_22 = vector.extract_strided_slice %logistic3A_21 {offsets = [0, 64], sizes = [1000, 64], strides = [1, 1]} : vector<1000x128xf32> to vector<1000x64xf32>
    %get3A_23 = arith.constant 0 : index
    %get3A_24 = arith.constant 0 : index
    %get3A_25 = arith.constant 0 : index
    %get3A_26 = arith.constant 0 : index
    %get3A_27 = vector.load %arg1[%get3A_23, %get3A_24, %get3A_25, %get3A_26] : memref<1x2x1000x128xf32, #tpu.memory_space<vmem>>, vector<1x1x1000x128xf32>
    %get3A_28 = vector.shape_cast %get3A_27 : vector<1x1x1000x128xf32> to vector<1000x128xf32>
    %get3A_29 = arith.constant 0 : index
    %get3A_30 = arith.constant 0 : index
    %get3A_31 = vector.load %arg5[%get3A_29, %get3A_30] : memref<192x64xf32, #tpu.memory_space<vmem>>, vector<128x64xf32>
    %dot_general3A = arith.constant dense<0.000000e+00> : vector<1000x64xf32>
    %dot_general3A_32 = tpu.matmul %get3A_28, %get3A_31, %dot_general3A {dimension_numbers = #tpu.dot_dimension_numbers<[1], [0], [0], [1], [0, 0, 1, 1], [], []>, transpose_lhs_hint = false} : vector<1000x128xf32>, vector<128x64xf32>, vector<1000x64xf32> -> vector<1000x64xf32>
    %get3A_33 = arith.constant 0 : index
    %get3A_34 = arith.constant 0 : index
    %get3A_35 = arith.constant 0 : index
    %get3A_36 = arith.constant 0 : index
    %get3A_37 = vector.load %arg2[%get3A_33, %get3A_34, %get3A_35, %get3A_36] : memref<1x2x1000x64xf32, #tpu.memory_space<vmem>>, vector<1x1x1000x64xf32>
    %get3A_38 = vector.shape_cast %get3A_37 : vector<1x1x1000x64xf32> to vector<1000x64xf32>
    %mul3A_39 = arith.mulf %slice3A, %get3A_38 : vector<1000x64xf32>
    %get3A_40 = arith.constant 128 : index
    %get3A_41 = arith.constant 0 : index
    %get3A_42 = vector.load %arg5[%get3A_40, %get3A_41] : memref<192x64xf32, #tpu.memory_space<vmem>>, vector<64x64xf32>
    %dot_general3A_43 = arith.constant dense<0.000000e+00> : vector<1000x64xf32>
    %dot_general3A_44 = tpu.matmul %mul3A_39, %get3A_42, %dot_general3A_43 {dimension_numbers = #tpu.dot_dimension_numbers<[1], [0], [0], [1], [0, 0, 1, 1], [], []>, transpose_lhs_hint = false} : vector<1000x64xf32>, vector<64x64xf32>, vector<1000x64xf32> -> vector<1000x64xf32>
    %add3A_45 = arith.addf %dot_general3A_32, %dot_general3A_44 : vector<1000x64xf32>
    %get3A_46 = arith.constant 0 : index
    %get3A_47 = arith.constant 1 : index
    %get3A_48 = arith.constant 0 : index
    %get3A_49 = arith.constant 0 : index
    %get3A_50 = vector.load %arg3[%get3A_46, %get3A_47, %get3A_48, %get3A_49] : memref<1x2x1000x128xf32, #tpu.memory_space<vmem>>, vector<1x1x1000x128xf32>
    %get3A_51 = vector.shape_cast %get3A_50 : vector<1x1x1000x128xf32> to vector<1000x128xf32>
    %mul3A_52 = vector.broadcast %div3A_5 : vector<1000x1xf32> to vector<1000x128xf32>
    %mul3A_53 = arith.mulf %get3A_51, %mul3A_52 : vector<1000x128xf32>
    %get3A_54 = arith.constant 0 : index
    %get3A_55 = arith.constant 0 : index
    %get3A_56 = vector.load %arg6[%get3A_54, %get3A_55] : memref<1x128xf32, #tpu.memory_space<vmem>>, vector<1x128xf32>
    %add3A_57 = vector.broadcast %get3A_56 : vector<1x128xf32> to vector<1000x128xf32>
    %add3A_58 = arith.addf %mul3A_53, %add3A_57 : vector<1000x128xf32>
    %logistic3A_59 = arith.negf %add3A_58 : vector<1000x128xf32>
    %logistic3A_60 = math.exp %logistic3A_59 : vector<1000x128xf32>
    %logistic3A_61 = arith.constant 1.000000e+00 : f32
    %logistic3A_62 = vector.broadcast %logistic3A_61 : f32 to vector<1000x128xf32>
    %logistic3A_63 = arith.addf %logistic3A_62, %logistic3A_60 : vector<1000x128xf32>
    %logistic3A_64 = arith.divf %logistic3A_62, %logistic3A_63 : vector<1000x128xf32>
    %slice3A_65 = vector.extract_strided_slice %logistic3A_64 {offsets = [0, 0], sizes = [1000, 64], strides = [1, 1]} : vector<1000x128xf32> to vector<1000x64xf32>
    %slice3A_66 = vector.extract_strided_slice %logistic3A_64 {offsets = [0, 64], sizes = [1000, 64], strides = [1, 1]} : vector<1000x128xf32> to vector<1000x64xf32>
    %get3A_67 = arith.constant 0 : index
    %get3A_68 = arith.constant 1 : index
    %get3A_69 = arith.constant 0 : index
    %get3A_70 = arith.constant 0 : index
    %get3A_71 = vector.load %arg1[%get3A_67, %get3A_68, %get3A_69, %get3A_70] : memref<1x2x1000x128xf32, #tpu.memory_space<vmem>>, vector<1x1x1000x128xf32>
    %get3A_72 = vector.shape_cast %get3A_71 : vector<1x1x1000x128xf32> to vector<1000x128xf32>
    %get3A_73 = arith.constant 0 : index
    %get3A_74 = arith.constant 0 : index
    %get3A_75 = vector.load %arg5[%get3A_73, %get3A_74] : memref<192x64xf32, #tpu.memory_space<vmem>>, vector<128x64xf32>
    %dot_general3A_76 = arith.constant dense<0.000000e+00> : vector<1000x64xf32>
    %dot_general3A_77 = tpu.matmul %get3A_72, %get3A_75, %dot_general3A_76 {dimension_numbers = #tpu.dot_dimension_numbers<[1], [0], [0], [1], [0, 0, 1, 1], [], []>, transpose_lhs_hint = false} : vector<1000x128xf32>, vector<128x64xf32>, vector<1000x64xf32> -> vector<1000x64xf32>
    %get3A_78 = arith.constant 0 : index
    %get3A_79 = arith.constant 1 : index
    %get3A_80 = arith.constant 0 : index
    %get3A_81 = arith.constant 0 : index
    %get3A_82 = vector.load %arg2[%get3A_78, %get3A_79, %get3A_80, %get3A_81] : memref<1x2x1000x64xf32, #tpu.memory_space<vmem>>, vector<1x1x1000x64xf32>
    %get3A_83 = vector.shape_cast %get3A_82 : vector<1x1x1000x64xf32> to vector<1000x64xf32>
    %mul3A_84 = arith.mulf %slice3A_65, %get3A_83 : vector<1000x64xf32>
    %get3A_85 = arith.constant 128 : index
    %get3A_86 = arith.constant 0 : index
    %get3A_87 = vector.load %arg5[%get3A_85, %get3A_86] : memref<192x64xf32, #tpu.memory_space<vmem>>, vector<64x64xf32>
    %dot_general3A_88 = arith.constant dense<0.000000e+00> : vector<1000x64xf32>
    %dot_general3A_89 = tpu.matmul %mul3A_84, %get3A_87, %dot_general3A_88 {dimension_numbers = #tpu.dot_dimension_numbers<[1], [0], [0], [1], [0, 0, 1, 1], [], []>, transpose_lhs_hint = false} : vector<1000x64xf32>, vector<64x64xf32>, vector<1000x64xf32> -> vector<1000x64xf32>
    %add3A_90 = arith.addf %dot_general3A_77, %dot_general3A_89 : vector<1000x64xf32>
    %concatenate3A = tpu.concatenate %add3A_45, %add3A_90 in 1 : vector<1000x64xf32>, vector<1000x64xf32> -> vector<1000x128xf32>
    %swap3A = arith.constant 0 : index
    %swap3A_91 = arith.constant 0 : index
    %swap3A_92 = arith.constant 0 : index
    %swap3A_93 = vector.load %arg7[%swap3A, %swap3A_91, %swap3A_92] : memref<1x1000x128xf32, #tpu.memory_space<vmem>>, vector<1x1000x128xf32>
    %swap3A_94 = vector.shape_cast %swap3A_93 : vector<1x1000x128xf32> to vector<1000x128xf32>
    %swap3A_95 = vector.shape_cast %concatenate3A : vector<1000x128xf32> to vector<1x1000x128xf32>
    tpu.vector_store %arg7[%swap3A, %swap3A_91, %swap3A_92], %swap3A_95 {strides = array<i32>} : memref<1x1000x128xf32, #tpu.memory_space<vmem>>, vector<1x1000x128xf32>,
    %concatenate3A_96 = tpu.concatenate %slice3A_22, %slice3A_66 in 1 : vector<1000x64xf32>, vector<1000x64xf32> -> vector<1000x128xf32>
    %swap3A_97 = arith.constant 0 : index
    %swap3A_98 = arith.constant 0 : index
    %swap3A_99 = arith.constant 0 : index
    %swap3A_100 = vector.load %arg8[%swap3A_97, %swap3A_98, %swap3A_99] : memref<1x1000x128xf32, #tpu.memory_space<vmem>>, vector<1x1000x128xf32>
    %swap3A_101 = vector.shape_cast %swap3A_100 : vector<1x1000x128xf32> to vector<1000x128xf32>
    %swap3A_102 = vector.shape_cast %concatenate3A_96 : vector<1000x128xf32> to vector<1x1000x128xf32>
    tpu.vector_store %arg8[%swap3A_97, %swap3A_98, %swap3A_99], %swap3A_102 {strides = array<i32>} : memref<1x1000x128xf32, #tpu.memory_space<vmem>>, vector<1x1000x128xf32>,
    return
  }
  func.func @transform_0(%arg0: i32) -> (i32, i32, i32, i32) {
    %jit3A = arith.constant 10 : i32
    %div3A = arith.divsi %arg0, %jit3A : i32
    %sign3A = arith.constant 0 : i32
    %sign3A_0 = arith.cmpi sgt, %arg0, %sign3A : i32
    %sign3A_1 = arith.extui %sign3A_0 : i1 to i32
    %sign3A_2 = arith.constant 0 : i32
    %sign3A_3 = arith.cmpi slt, %arg0, %sign3A_2 : i32
    %sign3A_4 = arith.extui %sign3A_3 : i1 to i32
    %sign3A_5 = arith.subi %sign3A_1, %sign3A_4 : i32
    %sign3A_6 = arith.constant 0 : i32
    %sign3A_7 = arith.cmpi sgt, %jit3A, %sign3A_6 : i32
    %sign3A_8 = arith.extui %sign3A_7 : i1 to i32
    %sign3A_9 = arith.constant 0 : i32
    %sign3A_10 = arith.cmpi slt, %jit3A, %sign3A_9 : i32
    %sign3A_11 = arith.extui %sign3A_10 : i1 to i32
    %sign3A_12 = arith.subi %sign3A_8, %sign3A_11 : i32
    %ne3A = arith.cmpi ne, %sign3A_5, %sign3A_12 : i32
    %rem3A = arith.remsi %arg0, %jit3A : i32
    %ne3A_13 = arith.constant 0 : i32
    %ne3A_14 = arith.cmpi ne, %rem3A, %ne3A_13 : i32
    %and3A = arith.andi %ne3A, %ne3A_14 : i1
    %sub3A = arith.constant 1 : i32
    %sub3A_15 = arith.subi %div3A, %sub3A : i32
    %select_n3A = arith.select %and3A, %sub3A_15, %div3A : i32
    %jit3A_16 = arith.constant 10 : i32
    %eq3A = arith.constant 0 : i32
    %eq3A_17 = arith.cmpi eq, %jit3A_16, %eq3A : i32
    %jit3A_18 = arith.constant 1 : i32
    %select_n3A_19 = arith.select %eq3A_17, %jit3A_18, %jit3A_16 : i32
    %rem3A_20 = arith.remsi %arg0, %select_n3A_19 : i32
    %ne3A_21 = arith.constant 0 : i32
    %ne3A_22 = arith.cmpi ne, %rem3A_20, %ne3A_21 : i32
    %lt3A = arith.constant 0 : i32
    %lt3A_23 = arith.cmpi slt, %rem3A_20, %lt3A : i32
    %lt3A_24 = arith.constant 0 : i32
    %lt3A_25 = arith.cmpi slt, %select_n3A_19, %lt3A_24 : i32
    %ne3A_26 = arith.xori %lt3A_23, %lt3A_25 : i1
    %and3A_27 = arith.andi %ne3A_26, %ne3A_22 : i1
    %add3A = arith.addi %rem3A_20, %select_n3A_19 : i32
    %select_n3A_28 = arith.select %and3A_27, %add3A, %rem3A_20 : i32
    %c0_i32 = arith.constant 0 : i32
    %c0_i32_29 = arith.constant 0 : i32
    %c0_i32_30 = arith.constant 0 : i32
    return %select_n3A, %c0_i32, %select_n3A_28, %c0_i32_29 : i32, i32, i32, i32
  }
  func.func @transform_1(%arg0: i32) -> (i32, i32, i32, i32) {
    %jit3A = arith.constant 10 : i32
    %div3A = arith.divsi %arg0, %jit3A : i32
    %sign3A = arith.constant 0 : i32
    %sign3A_0 = arith.cmpi sgt, %arg0, %sign3A : i32
    %sign3A_1 = arith.extui %sign3A_0 : i1 to i32
    %sign3A_2 = arith.constant 0 : i32
    %sign3A_3 = arith.cmpi slt, %arg0, %sign3A_2 : i32
    %sign3A_4 = arith.extui %sign3A_3 : i1 to i32
    %sign3A_5 = arith.subi %sign3A_1, %sign3A_4 : i32
    %sign3A_6 = arith.constant 0 : i32
    %sign3A_7 = arith.cmpi sgt, %jit3A, %sign3A_6 : i32
    %sign3A_8 = arith.extui %sign3A_7 : i1 to i32
    %sign3A_9 = arith.constant 0 : i32
    %sign3A_10 = arith.cmpi slt, %jit3A, %sign3A_9 : i32
    %sign3A_11 = arith.extui %sign3A_10 : i1 to i32
    %sign3A_12 = arith.subi %sign3A_8, %sign3A_11 : i32
    %ne3A = arith.cmpi ne, %sign3A_5, %sign3A_12 : i32
    %rem3A = arith.remsi %arg0, %jit3A : i32
    %ne3A_13 = arith.constant 0 : i32
    %ne3A_14 = arith.cmpi ne, %rem3A, %ne3A_13 : i32
    %and3A = arith.andi %ne3A, %ne3A_14 : i1
    %sub3A = arith.constant 1 : i32
    %sub3A_15 = arith.subi %div3A, %sub3A : i32
    %select_n3A = arith.select %and3A, %sub3A_15, %div3A : i32
    %jit3A_16 = arith.constant 10 : i32
    %eq3A = arith.constant 0 : i32
    %eq3A_17 = arith.cmpi eq, %jit3A_16, %eq3A : i32
    %jit3A_18 = arith.constant 1 : i32
    %select_n3A_19 = arith.select %eq3A_17, %jit3A_18, %jit3A_16 : i32
    %rem3A_20 = arith.remsi %arg0, %select_n3A_19 : i32
    %ne3A_21 = arith.constant 0 : i32
    %ne3A_22 = arith.cmpi ne, %rem3A_20, %ne3A_21 : i32
    %lt3A = arith.constant 0 : i32
    %lt3A_23 = arith.cmpi slt, %rem3A_20, %lt3A : i32
    %lt3A_24 = arith.constant 0 : i32
    %lt3A_25 = arith.cmpi slt, %select_n3A_19, %lt3A_24 : i32
    %ne3A_26 = arith.xori %lt3A_23, %lt3A_25 : i1
    %and3A_27 = arith.andi %ne3A_26, %ne3A_22 : i1
    %add3A = arith.addi %rem3A_20, %select_n3A_19 : i32
    %select_n3A_28 = arith.select %and3A_27, %add3A, %rem3A_20 : i32
    %c0_i32 = arith.constant 0 : i32
    %c0_i32_29 = arith.constant 0 : i32
    %c0_i32_30 = arith.constant 0 : i32
    return %select_n3A, %c0_i32, %select_n3A_28, %c0_i32_29 : i32, i32, i32, i32
  }
  func.func @transform_2(%arg0: i32) -> (i32, i32, i32, i32) {
    %jit3A = arith.constant 10 : i32
    %div3A = arith.divsi %arg0, %jit3A : i32
    %sign3A = arith.constant 0 : i32
    %sign3A_0 = arith.cmpi sgt, %arg0, %sign3A : i32
    %sign3A_1 = arith.extui %sign3A_0 : i1 to i32
    %sign3A_2 = arith.constant 0 : i32
    %sign3A_3 = arith.cmpi slt, %arg0, %sign3A_2 : i32
    %sign3A_4 = arith.extui %sign3A_3 : i1 to i32
    %sign3A_5 = arith.subi %sign3A_1, %sign3A_4 : i32
    %sign3A_6 = arith.constant 0 : i32
    %sign3A_7 = arith.cmpi sgt, %jit3A, %sign3A_6 : i32
    %sign3A_8 = arith.extui %sign3A_7 : i1 to i32
    %sign3A_9 = arith.constant 0 : i32
    %sign3A_10 = arith.cmpi slt, %jit3A, %sign3A_9 : i32
    %sign3A_11 = arith.extui %sign3A_10 : i1 to i32
    %sign3A_12 = arith.subi %sign3A_8, %sign3A_11 : i32
    %ne3A = arith.cmpi ne, %sign3A_5, %sign3A_12 : i32
    %rem3A = arith.remsi %arg0, %jit3A : i32
    %ne3A_13 = arith.constant 0 : i32
    %ne3A_14 = arith.cmpi ne, %rem3A, %ne3A_13 : i32
    %and3A = arith.andi %ne3A, %ne3A_14 : i1
    %sub3A = arith.constant 1 : i32
    %sub3A_15 = arith.subi %div3A, %sub3A : i32
    %select_n3A = arith.select %and3A, %sub3A_15, %div3A : i32
    %jit3A_16 = arith.constant 10 : i32
    %eq3A = arith.constant 0 : i32
    %eq3A_17 = arith.cmpi eq, %jit3A_16, %eq3A : i32
    %jit3A_18 = arith.constant 1 : i32
    %select_n3A_19 = arith.select %eq3A_17, %jit3A_18, %jit3A_16 : i32
    %rem3A_20 = arith.remsi %arg0, %select_n3A_19 : i32
    %ne3A_21 = arith.constant 0 : i32
    %ne3A_22 = arith.cmpi ne, %rem3A_20, %ne3A_21 : i32
    %lt3A = arith.constant 0 : i32
    %lt3A_23 = arith.cmpi slt, %rem3A_20, %lt3A : i32
    %lt3A_24 = arith.constant 0 : i32
    %lt3A_25 = arith.cmpi slt, %select_n3A_19, %lt3A_24 : i32
    %ne3A_26 = arith.xori %lt3A_23, %lt3A_25 : i1
    %and3A_27 = arith.andi %ne3A_26, %ne3A_22 : i1
    %add3A = arith.addi %rem3A_20, %select_n3A_19 : i32
    %select_n3A_28 = arith.select %and3A_27, %add3A, %rem3A_20 : i32
    %c0_i32 = arith.constant 0 : i32
    %c0_i32_29 = arith.constant 0 : i32
    %c0_i32_30 = arith.constant 0 : i32
    return %select_n3A, %c0_i32, %select_n3A_28, %c0_i32_29 : i32, i32, i32, i32
  }
  func.func @transform_3(%arg0: i32) -> (i32, i32) {
    %jit3A = arith.constant 10 : i32
    %eq3A = arith.constant 0 : i32
    %eq3A_0 = arith.cmpi eq, %jit3A, %eq3A : i32
    %jit3A_1 = arith.constant 1 : i32
    %select_n3A = arith.select %eq3A_0, %jit3A_1, %jit3A : i32
    %rem3A = arith.remsi %arg0, %select_n3A : i32
    %ne3A = arith.constant 0 : i32
    %ne3A_2 = arith.cmpi ne, %rem3A, %ne3A : i32
    %lt3A = arith.constant 0 : i32
    %lt3A_3 = arith.cmpi slt, %rem3A, %lt3A : i32
    %lt3A_4 = arith.constant 0 : i32
    %lt3A_5 = arith.cmpi slt, %select_n3A, %lt3A_4 : i32
    %ne3A_6 = arith.xori %lt3A_3, %lt3A_5 : i1
    %and3A = arith.andi %ne3A_6, %ne3A_2 : i1
    %add3A = arith.addi %rem3A, %select_n3A : i32
    %select_n3A_7 = arith.select %and3A, %add3A, %rem3A : i32
    %c0_i32 = arith.constant 0 : i32
    %c0_i32_8 = arith.constant 0 : i32
    return %select_n3A_7, %c0_i32 : i32, i32
  }
  func.func @transform_4(%arg0: i32) -> (i32, i32) {
    %c0_i32 = arith.constant 0 : i32
    %c0_i32_0 = arith.constant 0 : i32
    %c0_i32_1 = arith.constant 0 : i32
    return %c0_i32, %c0_i32_0 : i32, i32
  }
  func.func @transform_5(%arg0: i32) -> (i32, i32) {
    %c0_i32 = arith.constant 0 : i32
    %c0_i32_0 = arith.constant 0 : i32
    %c0_i32_1 = arith.constant 0 : i32
    return %c0_i32, %c0_i32_0 : i32, i32
  }
  func.func @transform_6(%arg0: i32) -> (i32, i32, i32) {
    %jit3A = arith.constant 10 : i32
    %div3A = arith.divsi %arg0, %jit3A : i32
    %sign3A = arith.constant 0 : i32
    %sign3A_0 = arith.cmpi sgt, %arg0, %sign3A : i32
    %sign3A_1 = arith.extui %sign3A_0 : i1 to i32
    %sign3A_2 = arith.constant 0 : i32
    %sign3A_3 = arith.cmpi slt, %arg0, %sign3A_2 : i32
    %sign3A_4 = arith.extui %sign3A_3 : i1 to i32
    %sign3A_5 = arith.subi %sign3A_1, %sign3A_4 : i32
    %sign3A_6 = arith.constant 0 : i32
    %sign3A_7 = arith.cmpi sgt, %jit3A, %sign3A_6 : i32
    %sign3A_8 = arith.extui %sign3A_7 : i1 to i32
    %sign3A_9 = arith.constant 0 : i32
    %sign3A_10 = arith.cmpi slt, %jit3A, %sign3A_9 : i32
    %sign3A_11 = arith.extui %sign3A_10 : i1 to i32
    %sign3A_12 = arith.subi %sign3A_8, %sign3A_11 : i32
    %ne3A = arith.cmpi ne, %sign3A_5, %sign3A_12 : i32
    %rem3A = arith.remsi %arg0, %jit3A : i32
    %ne3A_13 = arith.constant 0 : i32
    %ne3A_14 = arith.cmpi ne, %rem3A, %ne3A_13 : i32
    %and3A = arith.andi %ne3A, %ne3A_14 : i1
    %sub3A = arith.constant 1 : i32
    %sub3A_15 = arith.subi %div3A, %sub3A : i32
    %select_n3A = arith.select %and3A, %sub3A_15, %div3A : i32
    %jit3A_16 = arith.constant 10 : i32
    %eq3A = arith.constant 0 : i32
    %eq3A_17 = arith.cmpi eq, %jit3A_16, %eq3A : i32
    %jit3A_18 = arith.constant 1 : i32
    %select_n3A_19 = arith.select %eq3A_17, %jit3A_18, %jit3A_16 : i32
    %rem3A_20 = arith.remsi %arg0, %select_n3A_19 : i32
    %ne3A_21 = arith.constant 0 : i32
    %ne3A_22 = arith.cmpi ne, %rem3A_20, %ne3A_21 : i32
    %lt3A = arith.constant 0 : i32
    %lt3A_23 = arith.cmpi slt, %rem3A_20, %lt3A : i32
    %lt3A_24 = arith.constant 0 : i32
    %lt3A_25 = arith.cmpi slt, %select_n3A_19, %lt3A_24 : i32
    %ne3A_26 = arith.xori %lt3A_23, %lt3A_25 : i1
    %and3A_27 = arith.andi %ne3A_26, %ne3A_22 : i1
    %add3A = arith.addi %rem3A_20, %select_n3A_19 : i32
    %select_n3A_28 = arith.select %and3A_27, %add3A, %rem3A_20 : i32
    %c0_i32 = arith.constant 0 : i32
    %c0_i32_29 = arith.constant 0 : i32
    return %select_n3A, %select_n3A_28, %c0_i32 : i32, i32, i32
  }
  func.func @transform_7(%arg0: i32) -> (i32, i32, i32) {
    %jit3A = arith.constant 10 : i32
    %div3A = arith.divsi %arg0, %jit3A : i32
    %sign3A = arith.constant 0 : i32
    %sign3A_0 = arith.cmpi sgt, %arg0, %sign3A : i32
    %sign3A_1 = arith.extui %sign3A_0 : i1 to i32
    %sign3A_2 = arith.constant 0 : i32
    %sign3A_3 = arith.cmpi slt, %arg0, %sign3A_2 : i32
    %sign3A_4 = arith.extui %sign3A_3 : i1 to i32
    %sign3A_5 = arith.subi %sign3A_1, %sign3A_4 : i32
    %sign3A_6 = arith.constant 0 : i32
    %sign3A_7 = arith.cmpi sgt, %jit3A, %sign3A_6 : i32
    %sign3A_8 = arith.extui %sign3A_7 : i1 to i32
    %sign3A_9 = arith.constant 0 : i32
    %sign3A_10 = arith.cmpi slt, %jit3A, %sign3A_9 : i32
    %sign3A_11 = arith.extui %sign3A_10 : i1 to i32
    %sign3A_12 = arith.subi %sign3A_8, %sign3A_11 : i32
    %ne3A = arith.cmpi ne, %sign3A_5, %sign3A_12 : i32
    %rem3A = arith.remsi %arg0, %jit3A : i32
    %ne3A_13 = arith.constant 0 : i32
    %ne3A_14 = arith.cmpi ne, %rem3A, %ne3A_13 : i32
    %and3A = arith.andi %ne3A, %ne3A_14 : i1
    %sub3A = arith.constant 1 : i32
    %sub3A_15 = arith.subi %div3A, %sub3A : i32
    %select_n3A = arith.select %and3A, %sub3A_15, %div3A : i32
    %jit3A_16 = arith.constant 10 : i32
    %eq3A = arith.constant 0 : i32
    %eq3A_17 = arith.cmpi eq, %jit3A_16, %eq3A : i32
    %jit3A_18 = arith.constant 1 : i32
    %select_n3A_19 = arith.select %eq3A_17, %jit3A_18, %jit3A_16 : i32
    %rem3A_20 = arith.remsi %arg0, %select_n3A_19 : i32
    %ne3A_21 = arith.constant 0 : i32
    %ne3A_22 = arith.cmpi ne, %rem3A_20, %ne3A_21 : i32
    %lt3A = arith.constant 0 : i32
    %lt3A_23 = arith.cmpi slt, %rem3A_20, %lt3A : i32
    %lt3A_24 = arith.constant 0 : i32
    %lt3A_25 = arith.cmpi slt, %select_n3A_19, %lt3A_24 : i32
    %ne3A_26 = arith.xori %lt3A_23, %lt3A_25 : i1
    %and3A_27 = arith.andi %ne3A_26, %ne3A_22 : i1
    %add3A = arith.addi %rem3A_20, %select_n3A_19 : i32
    %select_n3A_28 = arith.select %and3A_27, %add3A, %rem3A_20 : i32
    %c0_i32 = arith.constant 0 : i32
    %c0_i32_29 = arith.constant 0 : i32
    return %select_n3A, %select_n3A_28, %c0_i32 : i32, i32, i32
  }
}

module attributes {stable_mosaic.version = 14 : i64} {
  func.func @_mix_body(%arg0: i32, %arg1: memref<1x1000x128xf32, #tpu.memory_space<vmem>>, %arg2: memref<1x1000x128xf32, #tpu.memory_space<vmem>>, %arg3: memref<1x2x1000x64xf32, #tpu.memory_space<vmem>>, %arg4: memref<1000x16xf32, #tpu.memory_space<vmem>>, %arg5: memref<1x64xf32, #tpu.memory_space<vmem>>, %arg6: memref<1x2x1000x64xf32, #tpu.memory_space<vmem>>) attributes {dimension_semantics = [#tpu.dimension_semantics<arbitrary>], iteration_bounds = array<i64: 20>, scalar_prefetch = 0 : i64, scratch_operands = 0 : i64, tpu.core_type = #tpu.core_type<tc>, window_params = [{transform_indices = @transform_0, window_bounds = array<i64: 1, 1000, 128>}, {transform_indices = @transform_1, window_bounds = array<i64: 1, 1000, 128>}, {transform_indices = @transform_2, window_bounds = array<i64: 1, 2, 1000, 64>}, {transform_indices = @transform_3, window_bounds = array<i64: 1000, 16>}, {pipeline_mode = #tpu.pipeline_mode<synchronous>, transform_indices = @transform_4, window_bounds = array<i64: 1, 64>}, {transform_indices = @transform_5, window_bounds = array<i64: 1, 2, 1000, 64>}]} {
    %get3A = arith.constant 0 : index
    %get3A_0 = arith.constant 0 : index
    %get3A_1 = vector.load %arg4[%get3A, %get3A_0] : memref<1000x16xf32, #tpu.memory_space<vmem>>, vector<1000x1xf32>
    %max3A = arith.constant 1.000000e+00 : f32
    %max3A_2 = vector.broadcast %max3A : f32 to vector<1000x1xf32>
    %max3A_3 = arith.maximumf %get3A_1, %max3A_2 : vector<1000x1xf32>
    %div3A = arith.constant 1.000000e+00 : f32
    %div3A_4 = vector.broadcast %div3A : f32 to vector<1000x1xf32>
    %div3A_5 = arith.divf %div3A_4, %max3A_3 : vector<1000x1xf32>
    %get3A_6 = arith.constant 0 : index
    %get3A_7 = arith.constant 0 : index
    %get3A_8 = arith.constant 0 : index
    %get3A_9 = vector.load %arg1[%get3A_6, %get3A_7, %get3A_8] : memref<1x1000x128xf32, #tpu.memory_space<vmem>>, vector<1x1000x128xf32>
    %get3A_10 = vector.shape_cast %get3A_9 : vector<1x1000x128xf32> to vector<1000x128xf32>
    %slice3A = vector.extract_strided_slice %get3A_10 {offsets = [0, 0], sizes = [1000, 64], strides = [1, 1]} : vector<1000x128xf32> to vector<1000x64xf32>
    %mul3A = vector.broadcast %div3A_5 : vector<1000x1xf32> to vector<1000x64xf32>
    %mul3A_11 = arith.mulf %slice3A, %mul3A : vector<1000x64xf32>
    %get3A_12 = arith.constant 0 : index
    %get3A_13 = arith.constant 0 : index
    %get3A_14 = vector.load %arg5[%get3A_12, %get3A_13] : memref<1x64xf32, #tpu.memory_space<vmem>>, vector<1x64xf32>
    %add3A = vector.broadcast %get3A_14 : vector<1x64xf32> to vector<1000x64xf32>
    %add3A_15 = arith.addf %mul3A_11, %add3A : vector<1000x64xf32>
    %tanh3A = math.tanh %add3A_15 : vector<1000x64xf32>
    %get3A_16 = arith.constant 0 : index
    %get3A_17 = arith.constant 0 : index
    %get3A_18 = arith.constant 0 : index
    %get3A_19 = vector.load %arg2[%get3A_16, %get3A_17, %get3A_18] : memref<1x1000x128xf32, #tpu.memory_space<vmem>>, vector<1x1000x128xf32>
    %get3A_20 = vector.shape_cast %get3A_19 : vector<1x1000x128xf32> to vector<1000x128xf32>
    %slice3A_21 = vector.extract_strided_slice %get3A_20 {offsets = [0, 0], sizes = [1000, 64], strides = [1, 1]} : vector<1000x128xf32> to vector<1000x64xf32>
    %get3A_22 = arith.constant 0 : index
    %get3A_23 = arith.constant 0 : index
    %get3A_24 = arith.constant 0 : index
    %get3A_25 = arith.constant 0 : index
    %get3A_26 = vector.load %arg3[%get3A_22, %get3A_23, %get3A_24, %get3A_25] : memref<1x2x1000x64xf32, #tpu.memory_space<vmem>>, vector<1x1x1000x64xf32>
    %get3A_27 = vector.shape_cast %get3A_26 : vector<1x1x1000x64xf32> to vector<1000x64xf32>
    %mul3A_28 = arith.mulf %slice3A_21, %get3A_27 : vector<1000x64xf32>
    %sub3A = arith.constant 1.000000e+00 : f32
    %sub3A_29 = vector.broadcast %sub3A : f32 to vector<1000x64xf32>
    %sub3A_30 = arith.subf %sub3A_29, %slice3A_21 : vector<1000x64xf32>
    %mul3A_31 = arith.mulf %sub3A_30, %tanh3A : vector<1000x64xf32>
    %add3A_32 = arith.addf %mul3A_28, %mul3A_31 : vector<1000x64xf32>
    %swap3A = arith.constant 0 : index
    %swap3A_33 = arith.constant 0 : index
    %swap3A_34 = arith.constant 0 : index
    %swap3A_35 = arith.constant 0 : index
    %swap3A_36 = vector.load %arg6[%swap3A, %swap3A_33, %swap3A_34, %swap3A_35] : memref<1x2x1000x64xf32, #tpu.memory_space<vmem>>, vector<1x1x1000x64xf32>
    %swap3A_37 = vector.shape_cast %swap3A_36 : vector<1x1x1000x64xf32> to vector<1000x64xf32>
    %swap3A_38 = vector.shape_cast %add3A_32 : vector<1000x64xf32> to vector<1x1x1000x64xf32>
    tpu.vector_store %arg6[%swap3A, %swap3A_33, %swap3A_34, %swap3A_35], %swap3A_38 {strides = array<i32>} : memref<1x2x1000x64xf32, #tpu.memory_space<vmem>>, vector<1x1x1000x64xf32>,
    %get3A_39 = arith.constant 0 : index
    %get3A_40 = arith.constant 0 : index
    %get3A_41 = arith.constant 0 : index
    %get3A_42 = vector.load %arg1[%get3A_39, %get3A_40, %get3A_41] : memref<1x1000x128xf32, #tpu.memory_space<vmem>>, vector<1x1000x128xf32>
    %get3A_43 = vector.shape_cast %get3A_42 : vector<1x1000x128xf32> to vector<1000x128xf32>
    %slice3A_44 = vector.extract_strided_slice %get3A_43 {offsets = [0, 64], sizes = [1000, 64], strides = [1, 1]} : vector<1000x128xf32> to vector<1000x64xf32>
    %mul3A_45 = vector.broadcast %div3A_5 : vector<1000x1xf32> to vector<1000x64xf32>
    %mul3A_46 = arith.mulf %slice3A_44, %mul3A_45 : vector<1000x64xf32>
    %get3A_47 = arith.constant 0 : index
    %get3A_48 = arith.constant 0 : index
    %get3A_49 = vector.load %arg5[%get3A_47, %get3A_48] : memref<1x64xf32, #tpu.memory_space<vmem>>, vector<1x64xf32>
    %add3A_50 = vector.broadcast %get3A_49 : vector<1x64xf32> to vector<1000x64xf32>
    %add3A_51 = arith.addf %mul3A_46, %add3A_50 : vector<1000x64xf32>
    %tanh3A_52 = math.tanh %add3A_51 : vector<1000x64xf32>
    %get3A_53 = arith.constant 0 : index
    %get3A_54 = arith.constant 0 : index
    %get3A_55 = arith.constant 0 : index
    %get3A_56 = vector.load %arg2[%get3A_53, %get3A_54, %get3A_55] : memref<1x1000x128xf32, #tpu.memory_space<vmem>>, vector<1x1000x128xf32>
    %get3A_57 = vector.shape_cast %get3A_56 : vector<1x1000x128xf32> to vector<1000x128xf32>
    %slice3A_58 = vector.extract_strided_slice %get3A_57 {offsets = [0, 64], sizes = [1000, 64], strides = [1, 1]} : vector<1000x128xf32> to vector<1000x64xf32>
    %get3A_59 = arith.constant 0 : index
    %get3A_60 = arith.constant 1 : index
    %get3A_61 = arith.constant 0 : index
    %get3A_62 = arith.constant 0 : index
    %get3A_63 = vector.load %arg3[%get3A_59, %get3A_60, %get3A_61, %get3A_62] : memref<1x2x1000x64xf32, #tpu.memory_space<vmem>>, vector<1x1x1000x64xf32>
    %get3A_64 = vector.shape_cast %get3A_63 : vector<1x1x1000x64xf32> to vector<1000x64xf32>
    %mul3A_65 = arith.mulf %slice3A_58, %get3A_64 : vector<1000x64xf32>
    %sub3A_66 = arith.constant 1.000000e+00 : f32
    %sub3A_67 = vector.broadcast %sub3A_66 : f32 to vector<1000x64xf32>
    %sub3A_68 = arith.subf %sub3A_67, %slice3A_58 : vector<1000x64xf32>
    %mul3A_69 = arith.mulf %sub3A_68, %tanh3A_52 : vector<1000x64xf32>
    %add3A_70 = arith.addf %mul3A_65, %mul3A_69 : vector<1000x64xf32>
    %swap3A_71 = arith.constant 0 : index
    %swap3A_72 = arith.constant 1 : index
    %swap3A_73 = arith.constant 0 : index
    %swap3A_74 = arith.constant 0 : index
    %swap3A_75 = vector.load %arg6[%swap3A_71, %swap3A_72, %swap3A_73, %swap3A_74] : memref<1x2x1000x64xf32, #tpu.memory_space<vmem>>, vector<1x1x1000x64xf32>
    %swap3A_76 = vector.shape_cast %swap3A_75 : vector<1x1x1000x64xf32> to vector<1000x64xf32>
    %swap3A_77 = vector.shape_cast %add3A_70 : vector<1000x64xf32> to vector<1x1x1000x64xf32>
    tpu.vector_store %arg6[%swap3A_71, %swap3A_72, %swap3A_73, %swap3A_74], %swap3A_77 {strides = array<i32>} : memref<1x2x1000x64xf32, #tpu.memory_space<vmem>>, vector<1x1x1000x64xf32>,
    return
  }
  func.func @transform_0(%arg0: i32) -> (i32, i32, i32) {
    %jit3A = arith.constant 10 : i32
    %div3A = arith.divsi %arg0, %jit3A : i32
    %sign3A = arith.constant 0 : i32
    %sign3A_0 = arith.cmpi sgt, %arg0, %sign3A : i32
    %sign3A_1 = arith.extui %sign3A_0 : i1 to i32
    %sign3A_2 = arith.constant 0 : i32
    %sign3A_3 = arith.cmpi slt, %arg0, %sign3A_2 : i32
    %sign3A_4 = arith.extui %sign3A_3 : i1 to i32
    %sign3A_5 = arith.subi %sign3A_1, %sign3A_4 : i32
    %sign3A_6 = arith.constant 0 : i32
    %sign3A_7 = arith.cmpi sgt, %jit3A, %sign3A_6 : i32
    %sign3A_8 = arith.extui %sign3A_7 : i1 to i32
    %sign3A_9 = arith.constant 0 : i32
    %sign3A_10 = arith.cmpi slt, %jit3A, %sign3A_9 : i32
    %sign3A_11 = arith.extui %sign3A_10 : i1 to i32
    %sign3A_12 = arith.subi %sign3A_8, %sign3A_11 : i32
    %ne3A = arith.cmpi ne, %sign3A_5, %sign3A_12 : i32
    %rem3A = arith.remsi %arg0, %jit3A : i32
    %ne3A_13 = arith.constant 0 : i32
    %ne3A_14 = arith.cmpi ne, %rem3A, %ne3A_13 : i32
    %and3A = arith.andi %ne3A, %ne3A_14 : i1
    %sub3A = arith.constant 1 : i32
    %sub3A_15 = arith.subi %div3A, %sub3A : i32
    %select_n3A = arith.select %and3A, %sub3A_15, %div3A : i32
    %jit3A_16 = arith.constant 10 : i32
    %eq3A = arith.constant 0 : i32
    %eq3A_17 = arith.cmpi eq, %jit3A_16, %eq3A : i32
    %jit3A_18 = arith.constant 1 : i32
    %select_n3A_19 = arith.select %eq3A_17, %jit3A_18, %jit3A_16 : i32
    %rem3A_20 = arith.remsi %arg0, %select_n3A_19 : i32
    %ne3A_21 = arith.constant 0 : i32
    %ne3A_22 = arith.cmpi ne, %rem3A_20, %ne3A_21 : i32
    %lt3A = arith.constant 0 : i32
    %lt3A_23 = arith.cmpi slt, %rem3A_20, %lt3A : i32
    %lt3A_24 = arith.constant 0 : i32
    %lt3A_25 = arith.cmpi slt, %select_n3A_19, %lt3A_24 : i32
    %ne3A_26 = arith.xori %lt3A_23, %lt3A_25 : i1
    %and3A_27 = arith.andi %ne3A_26, %ne3A_22 : i1
    %add3A = arith.addi %rem3A_20, %select_n3A_19 : i32
    %select_n3A_28 = arith.select %and3A_27, %add3A, %rem3A_20 : i32
    %c0_i32 = arith.constant 0 : i32
    %c0_i32_29 = arith.constant 0 : i32
    return %select_n3A, %select_n3A_28, %c0_i32 : i32, i32, i32
  }
  func.func @transform_1(%arg0: i32) -> (i32, i32, i32) {
    %jit3A = arith.constant 10 : i32
    %div3A = arith.divsi %arg0, %jit3A : i32
    %sign3A = arith.constant 0 : i32
    %sign3A_0 = arith.cmpi sgt, %arg0, %sign3A : i32
    %sign3A_1 = arith.extui %sign3A_0 : i1 to i32
    %sign3A_2 = arith.constant 0 : i32
    %sign3A_3 = arith.cmpi slt, %arg0, %sign3A_2 : i32
    %sign3A_4 = arith.extui %sign3A_3 : i1 to i32
    %sign3A_5 = arith.subi %sign3A_1, %sign3A_4 : i32
    %sign3A_6 = arith.constant 0 : i32
    %sign3A_7 = arith.cmpi sgt, %jit3A, %sign3A_6 : i32
    %sign3A_8 = arith.extui %sign3A_7 : i1 to i32
    %sign3A_9 = arith.constant 0 : i32
    %sign3A_10 = arith.cmpi slt, %jit3A, %sign3A_9 : i32
    %sign3A_11 = arith.extui %sign3A_10 : i1 to i32
    %sign3A_12 = arith.subi %sign3A_8, %sign3A_11 : i32
    %ne3A = arith.cmpi ne, %sign3A_5, %sign3A_12 : i32
    %rem3A = arith.remsi %arg0, %jit3A : i32
    %ne3A_13 = arith.constant 0 : i32
    %ne3A_14 = arith.cmpi ne, %rem3A, %ne3A_13 : i32
    %and3A = arith.andi %ne3A, %ne3A_14 : i1
    %sub3A = arith.constant 1 : i32
    %sub3A_15 = arith.subi %div3A, %sub3A : i32
    %select_n3A = arith.select %and3A, %sub3A_15, %div3A : i32
    %jit3A_16 = arith.constant 10 : i32
    %eq3A = arith.constant 0 : i32
    %eq3A_17 = arith.cmpi eq, %jit3A_16, %eq3A : i32
    %jit3A_18 = arith.constant 1 : i32
    %select_n3A_19 = arith.select %eq3A_17, %jit3A_18, %jit3A_16 : i32
    %rem3A_20 = arith.remsi %arg0, %select_n3A_19 : i32
    %ne3A_21 = arith.constant 0 : i32
    %ne3A_22 = arith.cmpi ne, %rem3A_20, %ne3A_21 : i32
    %lt3A = arith.constant 0 : i32
    %lt3A_23 = arith.cmpi slt, %rem3A_20, %lt3A : i32
    %lt3A_24 = arith.constant 0 : i32
    %lt3A_25 = arith.cmpi slt, %select_n3A_19, %lt3A_24 : i32
    %ne3A_26 = arith.xori %lt3A_23, %lt3A_25 : i1
    %and3A_27 = arith.andi %ne3A_26, %ne3A_22 : i1
    %add3A = arith.addi %rem3A_20, %select_n3A_19 : i32
    %select_n3A_28 = arith.select %and3A_27, %add3A, %rem3A_20 : i32
    %c0_i32 = arith.constant 0 : i32
    %c0_i32_29 = arith.constant 0 : i32
    return %select_n3A, %select_n3A_28, %c0_i32 : i32, i32, i32
  }
  func.func @transform_2(%arg0: i32) -> (i32, i32, i32, i32) {
    %jit3A = arith.constant 10 : i32
    %div3A = arith.divsi %arg0, %jit3A : i32
    %sign3A = arith.constant 0 : i32
    %sign3A_0 = arith.cmpi sgt, %arg0, %sign3A : i32
    %sign3A_1 = arith.extui %sign3A_0 : i1 to i32
    %sign3A_2 = arith.constant 0 : i32
    %sign3A_3 = arith.cmpi slt, %arg0, %sign3A_2 : i32
    %sign3A_4 = arith.extui %sign3A_3 : i1 to i32
    %sign3A_5 = arith.subi %sign3A_1, %sign3A_4 : i32
    %sign3A_6 = arith.constant 0 : i32
    %sign3A_7 = arith.cmpi sgt, %jit3A, %sign3A_6 : i32
    %sign3A_8 = arith.extui %sign3A_7 : i1 to i32
    %sign3A_9 = arith.constant 0 : i32
    %sign3A_10 = arith.cmpi slt, %jit3A, %sign3A_9 : i32
    %sign3A_11 = arith.extui %sign3A_10 : i1 to i32
    %sign3A_12 = arith.subi %sign3A_8, %sign3A_11 : i32
    %ne3A = arith.cmpi ne, %sign3A_5, %sign3A_12 : i32
    %rem3A = arith.remsi %arg0, %jit3A : i32
    %ne3A_13 = arith.constant 0 : i32
    %ne3A_14 = arith.cmpi ne, %rem3A, %ne3A_13 : i32
    %and3A = arith.andi %ne3A, %ne3A_14 : i1
    %sub3A = arith.constant 1 : i32
    %sub3A_15 = arith.subi %div3A, %sub3A : i32
    %select_n3A = arith.select %and3A, %sub3A_15, %div3A : i32
    %jit3A_16 = arith.constant 10 : i32
    %eq3A = arith.constant 0 : i32
    %eq3A_17 = arith.cmpi eq, %jit3A_16, %eq3A : i32
    %jit3A_18 = arith.constant 1 : i32
    %select_n3A_19 = arith.select %eq3A_17, %jit3A_18, %jit3A_16 : i32
    %rem3A_20 = arith.remsi %arg0, %select_n3A_19 : i32
    %ne3A_21 = arith.constant 0 : i32
    %ne3A_22 = arith.cmpi ne, %rem3A_20, %ne3A_21 : i32
    %lt3A = arith.constant 0 : i32
    %lt3A_23 = arith.cmpi slt, %rem3A_20, %lt3A : i32
    %lt3A_24 = arith.constant 0 : i32
    %lt3A_25 = arith.cmpi slt, %select_n3A_19, %lt3A_24 : i32
    %ne3A_26 = arith.xori %lt3A_23, %lt3A_25 : i1
    %and3A_27 = arith.andi %ne3A_26, %ne3A_22 : i1
    %add3A = arith.addi %rem3A_20, %select_n3A_19 : i32
    %select_n3A_28 = arith.select %and3A_27, %add3A, %rem3A_20 : i32
    %c0_i32 = arith.constant 0 : i32
    %c0_i32_29 = arith.constant 0 : i32
    %c0_i32_30 = arith.constant 0 : i32
    return %select_n3A, %c0_i32, %select_n3A_28, %c0_i32_29 : i32, i32, i32, i32
  }
  func.func @transform_3(%arg0: i32) -> (i32, i32) {
    %jit3A = arith.constant 10 : i32
    %eq3A = arith.constant 0 : i32
    %eq3A_0 = arith.cmpi eq, %jit3A, %eq3A : i32
    %jit3A_1 = arith.constant 1 : i32
    %select_n3A = arith.select %eq3A_0, %jit3A_1, %jit3A : i32
    %rem3A = arith.remsi %arg0, %select_n3A : i32
    %ne3A = arith.constant 0 : i32
    %ne3A_2 = arith.cmpi ne, %rem3A, %ne3A : i32
    %lt3A = arith.constant 0 : i32
    %lt3A_3 = arith.cmpi slt, %rem3A, %lt3A : i32
    %lt3A_4 = arith.constant 0 : i32
    %lt3A_5 = arith.cmpi slt, %select_n3A, %lt3A_4 : i32
    %ne3A_6 = arith.xori %lt3A_3, %lt3A_5 : i1
    %and3A = arith.andi %ne3A_6, %ne3A_2 : i1
    %add3A = arith.addi %rem3A, %select_n3A : i32
    %select_n3A_7 = arith.select %and3A, %add3A, %rem3A : i32
    %c0_i32 = arith.constant 0 : i32
    %c0_i32_8 = arith.constant 0 : i32
    return %select_n3A_7, %c0_i32 : i32, i32
  }
  func.func @transform_4(%arg0: i32) -> (i32, i32) {
    %c0_i32 = arith.constant 0 : i32
    %c0_i32_0 = arith.constant 0 : i32
    %c0_i32_1 = arith.constant 0 : i32
    return %c0_i32, %c0_i32_0 : i32, i32
  }
  func.func @transform_5(%arg0: i32) -> (i32, i32, i32, i32) {
    %jit3A = arith.constant 10 : i32
    %div3A = arith.divsi %arg0, %jit3A : i32
    %sign3A = arith.constant 0 : i32
    %sign3A_0 = arith.cmpi sgt, %arg0, %sign3A : i32
    %sign3A_1 = arith.extui %sign3A_0 : i1 to i32
    %sign3A_2 = arith.constant 0 : i32
    %sign3A_3 = arith.cmpi slt, %arg0, %sign3A_2 : i32
    %sign3A_4 = arith.extui %sign3A_3 : i1 to i32
    %sign3A_5 = arith.subi %sign3A_1, %sign3A_4 : i32
    %sign3A_6 = arith.constant 0 : i32
    %sign3A_7 = arith.cmpi sgt, %jit3A, %sign3A_6 : i32
    %sign3A_8 = arith.extui %sign3A_7 : i1 to i32
    %sign3A_9 = arith.constant 0 : i32
    %sign3A_10 = arith.cmpi slt, %jit3A, %sign3A_9 : i32
    %sign3A_11 = arith.extui %sign3A_10 : i1 to i32
    %sign3A_12 = arith.subi %sign3A_8, %sign3A_11 : i32
    %ne3A = arith.cmpi ne, %sign3A_5, %sign3A_12 : i32
    %rem3A = arith.remsi %arg0, %jit3A : i32
    %ne3A_13 = arith.constant 0 : i32
    %ne3A_14 = arith.cmpi ne, %rem3A, %ne3A_13 : i32
    %and3A = arith.andi %ne3A, %ne3A_14 : i1
    %sub3A = arith.constant 1 : i32
    %sub3A_15 = arith.subi %div3A, %sub3A : i32
    %select_n3A = arith.select %and3A, %sub3A_15, %div3A : i32
    %jit3A_16 = arith.constant 10 : i32
    %eq3A = arith.constant 0 : i32
    %eq3A_17 = arith.cmpi eq, %jit3A_16, %eq3A : i32
    %jit3A_18 = arith.constant 1 : i32
    %select_n3A_19 = arith.select %eq3A_17, %jit3A_18, %jit3A_16 : i32
    %rem3A_20 = arith.remsi %arg0, %select_n3A_19 : i32
    %ne3A_21 = arith.constant 0 : i32
    %ne3A_22 = arith.cmpi ne, %rem3A_20, %ne3A_21 : i32
    %lt3A = arith.constant 0 : i32
    %lt3A_23 = arith.cmpi slt, %rem3A_20, %lt3A : i32
    %lt3A_24 = arith.constant 0 : i32
    %lt3A_25 = arith.cmpi slt, %select_n3A_19, %lt3A_24 : i32
    %ne3A_26 = arith.xori %lt3A_23, %lt3A_25 : i1
    %and3A_27 = arith.andi %ne3A_26, %ne3A_22 : i1
    %add3A = arith.addi %rem3A_20, %select_n3A_19 : i32
    %select_n3A_28 = arith.select %and3A_27, %add3A, %rem3A_20 : i32
    %c0_i32 = arith.constant 0 : i32
    %c0_i32_29 = arith.constant 0 : i32
    %c0_i32_30 = arith.constant 0 : i32
    return %select_n3A, %c0_i32, %select_n3A_28, %c0_i32_29 : i32, i32, i32, i32
  }
}

</mosaic_0001>

<sc_bundles>
// kernel: kernel.11.cloned.1.call-start
scs
__scs_entry_jumppad:
0x0: {  	(pc) =	sbr.rel $0x88, $3  }
0x1: {  	(tag) =	ssettag $0x0;
	lr =	simm.s32 $0x1  }
0x2: {  	[smem:$0x3F9A] =	sst lr;
	_ =	strace $0xD0000000  }
0x3: {  	_ = 	snop  }
0x4: {  	_ = 	snop  }
0x5: {  	_ = 	snop  }
0x6: {  	_ = 	snop  }
0x7: {  	_ = 	snop  }
__scs_overlays_trampoline_lowered:
0x8: {  	[smem:$0x3FA9] =	sst s0  }
0x9: {  	[smem:$0x3FAA] =	sst s1  }
0xa: {  	[smem:$0x3FAB] =	sst s2  }
0xb: {  	[smem:$0x3FAC] =	sst s3  }
0xc: {  	[smem:$0x3FAD] =	sst s4  }
0xd: {  	[smem:$0x3FAE] =	sst s5  }
0xe: {  	[smem:$0x3FAF] =	sst s6  }
0xf: {  	[smem:$0x3FB0] =	sst s7  }
0x10: {  	[smem:$0x3FB1] =	sst s8  }
0x11: {  	[smem:$0x3FB2] =	sst s9;
	s0 =	simm.s32 @!p0 $0x0  }
0x12: {  	s1 =	sld [smem:$0x3F98];
	s0 =	simm.s32 @p0 $0x1  }
0x13: {  	[smem:$0x3FB3] =	sst s0;
	s0 =	simm.s32 @!p1 $0x0  }
0x14: {  	s2 =	sld [smem:$0x3F97];
	s0 =	simm.s32 @p1 $0x1  }
0x15: {  	[smem:$0x3FB4] =	sst s0;
	s0 =	simm.s32 @!p2 $0x0  }
0x16: {  	s3 =	sld [smem:$0x3FDB];
	s0 =	simm.s32 @p2 $0x1  }
0x17: {  	s4 =	simm.s32 $0x1BF5;
	[smem:$0x3FB6] =	sst s0  }
0x18: {  	s0 =	sld [smem:$0x3F99];
	_ =	swait.ge [sflag:s4], $0x0  }
0x19: {  	s7 =	sld [smem:$0x3F9A]  }
0x1a: {  	s8 =	sadd.s32 $0xFFFFE003, lr  }
0x1b: {  	s9 =	sadd.s32 $0xFFFFFEF7, lr;
	s5 =	simm.s32 $0xFFFFFFFF;
	p2 =	slt.u32 s8, $0xFFFFF086  }
0x1c: {  	p1 =	slt.u32 s9, $0xF7A;
	s5 =	simm.s32 @!p2 $0x0  }
0x1d: {  	s5 =	simm.s32 @p1 $0x1;
	p0 =	seq.s32 s7, s2  }
0x1e: {  	s7 =	smul.u32 @!p0 $0xF7A, s2;
	p2 =	seq.s32 @!p0 s5, $0x0  }
0x1f: {  	s9 =	smul.u32 $0xF7A, s1;
	s8 =	simm.s32 @!p0 $0x1BF5;
	p2 =	por !p2, p0  }
0x20: {  	[sflag:s8] =	ssyncset.s32 @!p0 $0xFFFFF086;
	s6 =	sadd.s32 @!p0 s3, s7;
	s7 =	simm.s32 @!p0 $0x108  }
0x21: {  	s3 =	sadd.s32 s3, s9;
	s6 =	sadd.s32 @!p0 $0x88, s6;
	s7 =	simm.s32 @p2 $0x1082  }
0x22: {  	[simem:s7], [sflag:s8] =	dma.local @!p0 [hbm:s6], $0xF7A  }
0x23: {  	s9 =	sor.u32 $0xD0000000, s2;
	s6 =	simm.s32 $0x108;
	_ =	swait.ge @!p0 [sflag:s8], $0x0  }
0x24: {  	s3 =	sadd.s32 $0x88, s3;
	s6 =	simm.s32 @!p1 $0x1082;
	[sflag:s4] =	ssyncset.s32 $0xFFFFF086  }
0x25: {  	[simem:s6], [sflag:s4] =	dma.local [hbm:s3], $0xF7A  }
0x26: {  	[smem:$0x3F9A] =	sst s1;
	(tag) =	ssettag s2;
	_ =	strace s9  }
0x27: {  	s1 =	sld [smem:$0x3FAA]  }
0x28: {  	s2 =	sld [smem:$0x3FAB]  }
0x29: {  	s4 =	sld [smem:$0x3FAD]  }
0x2a: {  	p0 =	seq.s32 s5, $0x0;
	s5 =	sld [smem:$0x3FAE]  }
0x2b: {  	s6 =	sld [smem:$0x3FAF]  }
0x2c: {  	s7 =	sld [smem:$0x3FB0]  }
0x2d: {  	s3 =	simm.s32 $0x108;
	s8 =	sld [smem:$0x3FB1]  }
0x2e: {  	s3 =	simm.s32 @!p0 $0x1082;
	s9 =	sld [smem:$0x3FB2]  }
0x2f: {  	lr =	sadd.s32 s0, s3;
	s0 =	sld [smem:$0x3FA9]  }
0x30: {  	s3 =	sld [smem:$0x3FAC]  }
0x31: {  	[smem:$0x3FB5] =	sst s10  }
0x32: {  	s10 =	sld [smem:$0x3FB3];
	_ =	sdelay $0x3  }
0x33: {  	p0 =	seq.s32 s10, $0x1;
	s10 =	sld [smem:$0x3FB5];
	_ =	sdelay $0x3  }
0x34: {  	[smem:$0x3FB5] =	sst s10  }
0x35: {  	s10 =	sld [smem:$0x3FB4];
	_ =	sdelay $0x3  }
0x36: {  	p1 =	seq.s32 s10, $0x1;
	s10 =	sld [smem:$0x3FB5];
	_ =	sdelay $0x3  }
0x37: {  	[smem:$0x3FB5] =	sst s10  }
0x38: {  	s10 =	sld [smem:$0x3FB6]  }
0x39: {  	_ = 	snop;
	(pc) =	sbr.ind lr, $3  }
0x3a: {  	_ = 	snop  }
0x3b: {  	_ = 	snop  }
0x3c: {  	p2 =	seq.s32 s10, $0x1;
	s10 =	sld [smem:$0x3FB5]  }
0x3d: {  	_ =	shalt  }
0x3e: {  	_ =	shalt  }
0x3f: {  	_ =	shalt  }
0x40: {  	_ =	shalt  }
0x41: {  	_ =	shalt  }
0x42: {  	_ =	shalt  }
0x43: {  	_ =	shalt  }
0x44: {  	_ =	shalt  }
0x45: {  	_ =	shalt  }
0x46: {  	_ =	shalt  }
0x47: {  	_ =	shalt  }
0x48: {  	_ =	shalt  }
0x49: {  	_ =	shalt  }
0x4a: {  	_ =	shalt  }
0x4b: {  	_ =	shalt  }
0x4c: {  	_ =	shalt  }
0x4d: {  	_ =	shalt  }
0x4e: {  	_ =	shalt  }
0x4f: {  	_ =	shalt  }
0x50: {  	_ =	shalt  }
0x51: {  	_ =	shalt  }
0x52: {  	_ =	shalt  }
0x53: {  	_ =	shalt  }
0x54: {  	_ =	shalt  }
0x55: {  	_ =	shalt  }
0x56: {  	_ =	shalt  }
0x57: {  	_ =	shalt  }
0x58: {  	_ =	shalt  }
0x59: {  	_ =	shalt  }
0x5a: {  	_ =	shalt  }
0x5b: {  	_ =	shalt  }
0x5c: {  	_ =	shalt  }
0x5d: {  	_ =	shalt  }
0x5e: {  	_ =	shalt  }
0x5f: {  	_ =	shalt  }
0x60: {  	_ =	shalt  }
0x61: {  	_ =	shalt  }
0x62: {  	_ =	shalt  }
0x63: {  	_ =	shalt  }
0x64: {  	_ =	shalt  }
0x65: {  	_ =	shalt  }
0x66: {  	_ =	shalt  }
0x67: {  	_ =	shalt  }
0x68: {  	_ =	shalt  }
0x69: {  	_ =	shalt  }
0x6a: {  	_ =	shalt  }
0x6b: {  	_ =	shalt  }
0x6c: {  	_ =	shalt  }
0x6d: {  	_ =	shalt  }
0x6e: {  	_ =	shalt  }
0x6f: {  	_ =	shalt  }
0x70: {  	_ =	shalt  }
0x71: {  	_ =	shalt  }
0x72: {  	_ =	shalt  }
0x73: {  	_ =	shalt  }
0x74: {  	_ =	shalt  }
0x75: {  	_ =	shalt  }
0x76: {  	_ =	shalt  }
0x77: {  	_ =	shalt  }
0x78: {  	_ =	shalt  }
0x79: {  	_ =	shalt  }
0x7a: {  	_ =	shalt  }
0x7b: {  	_ =	shalt  }
0x7c: {  	_ =	shalt  }
0x7d: {  	_ =	shalt  }
0x7e: {  	_ =	shalt  }
0x7f: {  	_ =	shalt  }
0x80: {  	_ =	shalt  }
0x81: {  	_ =	shalt  }
0x82: {  	_ =	shalt  }
0x83: {  	_ =	shalt  }
0x84: {  	_ =	shalt  }
0x85: {  	_ =	shalt  }
0x86: {  	_ =	shalt  }
0x87: {  	_ =	shalt  }
.Lfunc_end0:
.L_simem_size_0:
called_computation.2_lowered:
.L_overlay_start_0:
0x88: {  	s2 =	sld [smem:$0x3FD9]  }
0x89: {  	s3 =	sld [smem:$0x3FFE];
	_ =	sdelay $0x1  }
0x8a: {  	s1 =	srdreg.scid  }
0x8b: {  	s0 =	sand.u32 $0x1, s1  }
0x8c: {  	s17 =	sshll.u32 s0, $0xA;
	s2 =	sadd.s32 s3, s2  }
0x8d: {  	s2 =	sadd.s32 s2, s17  }
0x8e: {  	[smem:$0x3FC1] =	sst s2  }
0x8f: {  	_ = 	snop  }
0x90: {  	s18 =	sld [smem:$0x3FD0];
	(tm) =	ssettm $0x1  }
0x91: {  	s19 =	sld [smem:$0x3FFB];
	_ =	sdelay $0x3  }
0x92: {  	_ =	strace s19  }
0x93: {  	s2 =	sld [smem:$0x3FFC];
	_ =	sdelay $0x3  }
0x94: {  	_ =	strace s2  }
0x95: {  	s2 =	sld [smem:$0x3FFD];
	_ =	sdelay $0x3  }
0x96: {  	_ =	strace s2  }
0x97: {  	_ =	strace $0x8FFFFFFF  }
0x98: {  	s20 =	sld [smem:$0x3FDB];
	_ =	sdelay $0x1  }
0x99: {  	s4 =	simm.s32 $_scs_section_size  }
0x9a: {  	s5 =	simm.s32 $_size__tile_overlayer_lowered;
	s6 =	simm.s32 $_tile_overlayer_lowered  }
0x9b: {  	s7 =	simm.s32 $0x1BFF;
	s21 =	sshll.u32 s6, $0x1;
	s4 =	sadd.s32 s4, s20  }
0x9c: {  	s22 =	simm.s32 $0x0;
	s5 =	sshll.u32 s5, $0x1;
	s6 =	sadd.s32 s21, s4  }
0x9d: {  	[timem:s22], [sflag:s7] =	dma.local [hbm:s6], s5  }
0x9e: {  	_ =	swait.ge [sflag:s7], s5  }
0x9f: {  	s5 =	ssub.s32 $0x0, s5;
	[sflag:s7] =	ssyncset.done $0x0  }
0xa0: {  	[sflag:s7] =	ssyncadd.s32 s5;
	_ =	sdelay $0x1  }
0xa1: {  	s23 =	simm.s32 $0x1B8B  }
0xa2: {  	_ =	swait.ge [sflag:s23], $0x1  }
0xa3: {  	[sflag:s23] =	ssyncset.done $0x0  }
0xa4: {  	[sflag:s23] =	ssyncadd.s32 $0xFFFFFFFF  }
0xa5: {  	s5 =	sld [smem:$0x0]  }
0xa6: {  	s6 =	sand.u32 $0xFFFFFFFE, s1  }
0xa7: {  	p0 =	sne.s32 s1, s6  }
0xa8: {  	s6 =	sshll.u32 @p0 s6, $0xE  }
0xa9: {  	s6 =	sadd.s32 @p0 $0x11B8D, s6;
	s7 =	sshll.u32 @p0 s5, $0x11  }
0xaa: {  	s6 =	sor.u32 @p0 s7, s6  }
0xab: {  	[sflag:s6] =	ssyncadd.remote.s32 @p0 $0x1;
	_ =	sdelay $0x1  }
0xac: {  	s6 =	simm.s32 @p0 $0x1B8D  }
0xad: {  	_ =	swait.eq @p0 [sflag:s6], $0x1  }
0xae: {  	[sflag:s6] =	ssyncadd.s32 @p0 $0xFFFFFFFF  }
0xaf: {  	s7 =	sshll.u32 @!p0 s1, $0xE  }
0xb0: {  	s7 =	sor.u32 @!p0 $0x4000, s7;
	s6 =	simm.s32 @!p0 $0x1B8D  }
0xb1: {  	s5 =	sshll.u32 @!p0 s5, $0x11;
	s7 =	sadd.s32 @!p0 $0x11B8D, s7;
	_ =	swait.eq @!p0 [sflag:s6], $0x1  }
0xb2: {  	s5 =	sor.u32 @!p0 s5, s7;
	[sflag:s6] =	ssyncadd.s32 @!p0 $0xFFFFFFFF  }
0xb3: {  	s25 =	simm.s32 $0x1B8E;
	s24 =	sld [smem:$0x3FFE];
	[sflag:s5] =	ssyncadd.remote.s32 @!p0 $0x1  }
0xb4: {  	s26 =	simm.s32 $execute0_lowered;
	[smem:$0x3FD2] =	sst s25  }
0xb5: {  	s6 =	sshll.u32 s26, $0x1;
	_ =	strace $0x8000004C;
	[dreg:$0x1] =	wrdreg $0xFFFFFFFF  }
0xb6: {  	s28 =	simm.s32 $_size_execute0_lowered;
	s4 =	sadd.s32 s4, s6;
	[dreg:$0x0] =	wrdreg $0x0  }
0xb7: {  	s6 =	sshll.u32 s28, $0x1;
	[dreg:$0x2] =	wrdreg s4  }
0xb8: {  	[dreg:$0x3] =	wrdreg s6  }
0xb9: {  	[dreg:$0x4] =	wrdreg $0xC0  }
0xba: {  	_ =	task [dreg:s22], $0x5FFFF  }
0xbb: {  	[dreg:$0x1] =	wrdreg $0xFFFFFFFF  }
0xbc: {  	[dreg:$0x0] =	wrdreg $0x60  }
0xbd: {  	[dreg:$0x2] =	wrdreg s24  }
0xbe: {  	[dreg:$0x3] =	wrdreg s18  }
0xbf: {  	[dreg:$0x4] =	wrdreg $0x0  }
0xc0: {  	[dreg:$0x5] =	wrdreg $0xB  }
0xc1: {  	_ =	task.clear_ibuf [dreg:s22], $0x6FFFF;
	_ =	strace $0x9000004C  }
0xc2: {  	s29 =	simm.s32 $0xB;
	_ =	strace $0x8000004E  }
0xc3: {  	_ =	swait.ge [sflag:s29], $0x1  }
0xc4: {  	[sflag:s29] =	ssyncadd.s32 $0xFFFFFFFF  }
0xc5: {  	_ =	strace $0x9000004E  }
0xc6: {  	_ =	sfence  }
0xc7: {  	s30 =	sld [smem:$0x0];
	_ =	sdelay $0x2  }
0xc8: {  	s31 =	sshll.u32 s1, $0xD;
	s1 =	sshrl.u32 s1, $0x2  }
0xc9: {  	s4 =	sand.u32 $0x4000, s31;
	s1 =	sadd.s32 s1, s30  }
0xca: {  	s0 =	sor.u32 s4, s0;
	s1 =	sshll.u32 s1, $0x11  }
0xcb: {  	s0 =	sor.u32 s1, s0  }
0xcc: {  	s0 =	sadd.s32 $0x8F2B, s0  }
0xcd: {  	[sflag:s0] =	ssyncadd.remote.s32 $0x1  }
0xce: {  	_ =	sfence.sel $0xFFFF  }
0xcf: {  	[dreg:$0x0] =	wrdreg $0xFFFFFFFF;
	(pc) =	sbr.abs _section_cstart, $3  }
0xd0: {  	[dreg:$0x1] =	wrdreg $0xFFFFFFFF  }
0xd1: {  	_ =	task.clear_ibuf [dreg:s22], $0x2FFFF;
	_ =	strace $0x9FFFFFFF  }
0xd2: {  	(tm) =	ssettm $0x7FFFFFFF  }
0xd3: {  	_ =	shalt  }
tec
execute0_lowered:
.L_overlay_start_1:
0x0: {  	(tag) =	ssettag $0x1  }
0x1: {  	s8 =	rddreg [dreg:$0x0]  }
0x2: {  	s10 =	rddreg [dreg:$0x1];
	s1 =	srdreg.scid  }
0x3: {  	s0 =	stileid.u32;
	s2 =	rddreg [dreg:$0x2];
	s3 =	simm.s32 $0x0  }
0x4: {  	s17 =	simm.s32 $0x2;
	s21 =	simm.s32 $0x13900;
	s4 =	smul.u32 $0x2780, s0  }
0x5: {  	s22 =	simm.s32 $0x13980;
	s23 =	simm.s32 $0x80;
	s6 =	smul.u32 $0x4F0, s0  }
0x6: {  	s24 =	simm.s32 $0x13A00;
	s7 =	sand.u32 $0x1, s1;
	s11 =	smul.u32 $0x4E000, s0  }
0x7: {  	[smem:$0x7FF] =	sst s3;
	s26 =	smul.u32 $0x270, s0;
	s29 =	sshll.u32 s0, $0x6  }
0x8: {  	s20 =	sadd.s32 $0x138000, s2;
	p0 =	sne.s32 s0, $0xF;
	s5 =	smul.u32 $0x27800, s7  }
0x9: {  	_ =	strace $0x8000004D;
	s9 =	ssub.s32 $0x2, s7;
	s30 =	smul.u32 $0x2710, s7  }
0xa: {  	s12 =	smul.u32 $0x138800, s7;
	s7 =	sadd.s32 $0x153900, s8;
	s20 =	sshrl.u32 @!p0 s20, $0x3  }
0xb: {  	s15 =	sadd.s32 s6, s8;
	s25 =	sshrl.u32 s9, $0x1;
	s28 =	sshrl.u32 s11, $0x2  }
0xc: {  	s6 =	sor.u32 $0x1C02, s29;
	s5 =	sadd.s32 s4, s5;
	s4 =	sadd.s32 $0xB1200, s8  }
0xd: {  	s13 =	ssub.s32 s9, s25;
	s16 =	sadd.s32 s28, s2;
	s9 =	sadd.s32 s26, s30  }
0xe: {  	s31 =	sshrl.u32 s12, $0x3;
	s15 =	sadd.s32 $0xFE00, s15;
	s25 =	simm.s32 $0x1  }
0xf: {  	s26 =	simm.s32 $0x0;
	s5 =	sshrl.u32 s5, $0x3;
	s18 =	sadd.s32 $0x6800, s16  }
0x10: {  	s19 =	sadd.s32 $0xD000, s16;
	s9 =	sshll.u32 s9, $0x4;
	s12 =	sadd.s32 s10, s31  }
0x11: {  	s13 =	smax.u32 s13, $0x1;
	s16 =	sshrl.u32 s16, $0x3;
	s14 =	sadd.s32 s5, s8  }
0x12: {  	s5 =	sadd.s32 $0x152C00, s8;
	s8 =	sadd.s32 $0x154600, s8;
	s9 =	sadd.s32 s10, s9  }
0x13: {  	s12 =	sadd.s32 $0x27000, s12;
	s18 =	sshrl.u32 s18, $0x3;
	s19 =	sshrl.u32 s19, $0x3  }
0x14: {  	s10 =	sadd.s32 $0xD00, s9;
	s11 =	sadd.s32 $0x1A00, s9;
	s14 =	sadd.s32 $0x1A3600, s14  }
.LBB2_1:
0x15: {  	[spmem:s16], [sflag:s6] =	dma.local [hbm:s5], $0xD00  }
0x16: {  	_ =	swait.ge [sflag:s17], $0xD00  }
0x17: {  	[sflag:s17] =	ssyncset.done $0x0  }
0x18: {  	[sflag:s17] =	ssyncadd.s32 $0xFFFFF300  }
0x19: {  	[spmem:s18], [sflag:s6] =	dma.local [hbm:s7], $0xD00  }
0x1a: {  	_ =	swait.ge [sflag:s17], $0xD00  }
0x1b: {  	[sflag:s17] =	ssyncset.done $0x0  }
0x1c: {  	[sflag:s17] =	ssyncadd.s32 $0xFFFFF300  }
0x1d: {  	[spmem:s19], [sflag:s6] =	dma.local [hbm:s8], $0xD00  }
0x1e: {  	_ =	swait.ge [sflag:s17], $0xD00  }
0x1f: {  	[sflag:s17] =	ssyncset.done $0x0  }
0x20: {  	s28 =	simm.s32 @!p0 $0x2;
	[sflag:s17] =	ssyncadd.s32 $0xFFFFF300  }
0x21: {  	[spmem:s20], [sflag:s6] =	dma.local @!p0 [hbm:s5], $0x100  }
0x22: {  	_ =	swait.ge @!p0 [sflag:s28], $0x100  }
0x23: {  	[sflag:s28] =	ssyncset.done @!p0 $0x0  }
0x24: {  	[sflag:s28] =	ssyncadd.s32 @!p0 $0xFFFFFF00  }
0x25: {  	s28 =	sadd.s32 $0x0, s14;
	[bflag:$0x0] =	sbarrier.arrive $0xFFFF  }
0x26: {  	[tilespmem:s21], [sflag:$0x2] =	stream.linear.gather [hbm4b:s28+s3], $0x80, $0x38;
	[tilespmem:$0x17A00] =	vst v63  }
0x27: {  	_ =	swait.ge [sflag:s17], $0x80  }
0x28: {  	[sflag:s17] =	ssyncset.done $0x0  }
0x29: {  	s28 =	sadd.s32 $0x0, s15;
	[sflag:s17] =	ssyncadd.s32 $0xFFFFFF80  }
0x2a: {  	[tilespmem:s22], [sflag:$0x2] =	stream.linear.gather [hbm4b:s28+s3], $0x80, $0x38;
	[tilespmem:$0x17A00] =	vst v63  }
0x2b: {  	_ =	swait.ge [sflag:s17], $0x80  }
0x2c: {  	[sflag:s17] =	ssyncset.done $0x0  }
0x2d: {  	[sflag:s17] =	ssyncadd.s32 $0xFFFFFF80  }
0x2e: {  	[tilespmem:s24], [sflag:$0x1] =	stream.indirect.gather [hbm4b:s4+s23], $0x80, s21, s23, $0xb8;
	[tilespmem:$0x17A00] =	vst v63  }
0x2f: {  	_ =	swait.ge [sflag:s25], $0x4000  }
0x30: {  	[sflag:s25] =	ssyncset.done $0x0  }
0x31: {  	[sflag:s25] =	ssyncadd.s32 $0xFFFFC000  }
0x32: {  	[spmem:s2] =	stream.indirect.scatter.add.f32 [tilespmem:s24], [sflag:$0x1], $0x80, s22, s23, $0xb8;
	[tilespmem:$0x17A00] =	vst v63  }
0x33: {  	_ =	swait.ge [sflag:s25], $0x4000  }
0x34: {  	s29 =	simm.s32 $0x20;
	s28 =	simm.s32 $0x10;
	[sflag:s25] =	ssyncset.done $0x0  }
.LBB2_2:
0x35: {  	s30 =	sadd.s32 s28, s14  }
0x36: {  	[sflag:s25] =	ssyncadd.s32 $0xFFFFC000;
	s31 =	smov.u32 s29;
	s1 =	sadd.s32 $0x10, s29  }
0x37: {  	[tilespmem:s21], [sflag:$0x2] =	stream.linear.gather [hbm4b:s30+s3], $0x80, $0x38;
	[tilespmem:$0x17A00] =	vst v63  }
0x38: {  	p1 =	sne.s32 s29, $0x4E0;
	_ =	swait.ge [sflag:s17], $0x80  }
0x39: {  	[sflag:s17] =	ssyncset.done $0x0  }
0x3a: {  	s29 =	sadd.s32 s28, s15;
	s28 =	smov.u32 s31;
	[sflag:s17] =	ssyncadd.s32 $0xFFFFFF80  }
0x3b: {  	[tilespmem:s22], [sflag:$0x2] =	stream.linear.gather [hbm4b:s29+s3], $0x80, $0x38;
	[tilespmem:$0x17A00] =	vst v63  }
0x3c: {  	_ =	swait.ge [sflag:s17], $0x80  }
0x3d: {  	[sflag:s17] =	ssyncset.done $0x0  }
0x3e: {  	[sflag:s17] =	ssyncadd.s32 $0xFFFFFF80  }
0x3f: {  	[tilespmem:s24], [sflag:$0x1] =	stream.indirect.gather [hbm4b:s4+s23], $0x80, s21, s23, $0xb8;
	[tilespmem:$0x17A00] =	vst v63  }
0x40: {  	_ =	swait.ge [sflag:s25], $0x4000  }
.Ltmp0:
0x41: {  	[sflag:s25] =	ssyncset.done $0x0;
	(pc) =	sbr.rel @p1 .LBB2_2-.Ltmp0, $4  }
0x42: {  	[sflag:s25] =	ssyncadd.s32 $0xFFFFC000  }
0x43: {  	[spmem:s2] =	stream.indirect.scatter.add.f32 [tilespmem:s24], [sflag:$0x1], $0x80, s22, s23, $0xb8;
	[tilespmem:$0x17A00] =	vst v63  }
0x44: {  	_ =	swait.ge [sflag:s25], $0x4000  }
0x45: {  	s29 =	smov.u32 s1;
	[sflag:s25] =	ssyncset.done $0x0  }
0x46: {  	s1 =	sadd.s32 s28, s14;
	[sflag:s25] =	ssyncadd.s32 $0xFFFFC000  }
0x47: {  	[tilespmem:s21], [sflag:$0x2] =	stream.linear.gather [hbm4b:s1+s3], $0x80, $0x38;
	[tilespmem:$0x17A00] =	vst v63  }
0x48: {  	_ =	swait.ge [sflag:s17], $0x80  }
0x49: {  	[sflag:s17] =	ssyncset.done $0x0  }
0x4a: {  	s31 =	sadd.s32 s28, s15;
	[sflag:s17] =	ssyncadd.s32 $0xFFFFFF80  }
0x4b: {  	[tilespmem:s22], [sflag:$0x2] =	stream.linear.gather [hbm4b:s31+s3], $0x80, $0x38;
	[tilespmem:$0x17A00] =	vst v63  }
0x4c: {  	_ =	swait.ge [sflag:s17], $0x80  }
0x4d: {  	[sflag:s17] =	ssyncset.done $0x0  }
0x4e: {  	[sflag:s17] =	ssyncadd.s32 $0xFFFFFF80  }
0x4f: {  	[tilespmem:s24], [sflag:$0x1] =	stream.indirect.gather [hbm4b:s4+s23], $0x80, s21, s23, $0xb8;
	[tilespmem:$0x17A00] =	vst v63  }
0x50: {  	_ =	swait.ge [sflag:s25], $0x4000  }
0x51: {  	[sflag:s25] =	ssyncset.done $0x0  }
0x52: {  	[sflag:s25] =	ssyncadd.s32 $0xFFFFC000  }
0x53: {  	[spmem:s2] =	stream.indirect.scatter.add.f32 [tilespmem:s24], [sflag:$0x1], $0x80, s22, s23, $0xb8;
	[tilespmem:$0x17A00] =	vst v63  }
0x54: {  	_ =	swait.ge [sflag:s25], $0x4000  }
0x55: {  	[sflag:s25] =	ssyncset.done $0x0  }
0x56: {  	[sflag:s25] =	ssyncadd.s32 $0xFFFFC000  }
0x57: {  	[bflag:$0x0] =	sbarrier.arrive $0xFFFF  }
0x58: {  	[hbm:s9], [sflag:s6] =	dma.local [spmem:s16], $0xD00  }
0x59: {  	_ =	swait.ge [sflag:s17], $0xD00  }
0x5a: {  	[sflag:s17] =	ssyncset.done $0x0  }
0x5b: {  	[sflag:s17] =	ssyncadd.s32 $0xFFFFF300  }
0x5c: {  	[hbm:s10], [sflag:s6] =	dma.local [spmem:s18], $0xD00  }
0x5d: {  	_ =	swait.ge [sflag:s17], $0xD00  }
0x5e: {  	[sflag:s17] =	ssyncset.done $0x0  }
0x5f: {  	[sflag:s17] =	ssyncadd.s32 $0xFFFFF300  }
0x60: {  	[hbm:s11], [sflag:s6] =	dma.local [spmem:s19], $0xD00  }
0x61: {  	s26 =	sadd.s32 $0x1, s26;
	_ =	swait.ge [sflag:s17], $0xD00  }
0x62: {  	p1 =	sne.s32 s26, s13;
	[sflag:s17] =	ssyncset.done $0x0  }
.Ltmp1:
0x63: {  	s1 =	simm.s32 @!p0 $0x2;
	[sflag:s17] =	ssyncadd.s32 $0xFFFFF300;
	(pc) =	sbr.rel @p1 .LBB2_1-.Ltmp1, $4  }
0x64: {  	[hbm:s12], [sflag:s6] =	dma.local @!p0 [spmem:s20], $0x100  }
0x65: {  	_ =	swait.ge @!p0 [sflag:s1], $0x100  }
0x66: {  	[sflag:s1] =	ssyncset.done @!p0 $0x0  }
0x67: {  	[sflag:s1] =	ssyncadd.s32 @!p0 $0xFFFFFF00  }
0x68: {  	_ =	sfence.sel $0x180000  }
0x69: {  	[bflag:$0x0] =	sbarrier.arrive $0xFFFF  }
0x6a: {  	_ =	strace $0x9000004D  }
0x6b: {  	[bflag:$0x2] =	sbarrier.arrive $0xFFFF  }
0x6c: {  	p0 =	sne.s32 s0, $0x0;
	s0 =	rddreg [dreg:$0x3]  }
0x6d: {  	s0 =	sadd.s32 @!p0 $0x100000, s0  }
0x6e: {  	[sflag:s0] =	ssyncadd.tile.s32 @!p0 $0x1;
	_ =	shalt  }
.Lfunc_end2:
_tile_overlayer_lowered:
.L_overlay_start_2:
0x6f: {  	(tag) =	ssettag $0x2  }
0x70: {  	s0 =	rddreg [dreg:$0x0];
	s2 =	stileid.u32  }
0x71: {  	s1 =	rddreg [dreg:$0x1];
	p0 =	sne.s32 s2, $0x0  }
0x72: {  	s3 =	rddreg [dreg:$0x2];
	[bflag:$0x3] =	sbarrier.arrive $0xFFFF;
	s2 =	simm.s32 @!p0 $0x1C02  }
0x73: {  	[timem:s3], [sflag:s2] =	dma.local @!p0 [hbm:s0], s1  }
0x74: {  	s0 =	simm.s32 @!p0 $0x2  }
0x75: {  	_ =	swait.ge @!p0 [sflag:s0], s1  }
0x76: {  	s1 =	ssub.s32 @!p0 $0x0, s1;
	[sflag:s0] =	ssyncset.done @!p0 $0x0  }
0x77: {  	[sflag:s0] =	ssyncadd.s32 @!p0 s1  }
0x78: {  	[bflag:$0x3] =	sbarrier.arrive $0xFFFF  }
0x79: {  	_ =	shalt  }

// kernel: kernel.14.cloned.1.call-start
scs
__scs_entry_jumppad:
0x0: {  	(pc) =	sbr.rel $0x88, $3  }
0x1: {  	(tag) =	ssettag $0x0;
	lr =	simm.s32 $0x1  }
0x2: {  	[smem:$0x3F9A] =	sst lr;
	_ =	strace $0xD0000000  }
0x3: {  	_ = 	snop  }
0x4: {  	_ = 	snop  }
0x5: {  	_ = 	snop  }
0x6: {  	_ = 	snop  }
0x7: {  	_ = 	snop  }
__scs_overlays_trampoline_lowered:
0x8: {  	[smem:$0x3FA9] =	sst s0  }
0x9: {  	[smem:$0x3FAA] =	sst s1  }
0xa: {  	[smem:$0x3FAB] =	sst s2  }
0xb: {  	[smem:$0x3FAC] =	sst s3  }
0xc: {  	[smem:$0x3FAD] =	sst s4  }
0xd: {  	[smem:$0x3FAE] =	sst s5  }
0xe: {  	[smem:$0x3FAF] =	sst s6  }
0xf: {  	[smem:$0x3FB0] =	sst s7  }
0x10: {  	[smem:$0x3FB1] =	sst s8  }
0x11: {  	[smem:$0x3FB2] =	sst s9;
	s0 =	simm.s32 @!p0 $0x0  }
0x12: {  	s1 =	sld [smem:$0x3F98];
	s0 =	simm.s32 @p0 $0x1  }
0x13: {  	[smem:$0x3FB3] =	sst s0;
	s0 =	simm.s32 @!p1 $0x0  }
0x14: {  	s2 =	sld [smem:$0x3F97];
	s0 =	simm.s32 @p1 $0x1  }
0x15: {  	[smem:$0x3FB4] =	sst s0;
	s0 =	simm.s32 @!p2 $0x0  }
0x16: {  	s3 =	sld [smem:$0x3FDB];
	s0 =	simm.s32 @p2 $0x1  }
0x17: {  	s4 =	simm.s32 $0x1BF5;
	[smem:$0x3FB6] =	sst s0  }
0x18: {  	s0 =	sld [smem:$0x3F99];
	_ =	swait.ge [sflag:s4], $0x0  }
0x19: {  	s7 =	sld [smem:$0x3F9A]  }
0x1a: {  	s8 =	sadd.s32 $0xFFFFE003, lr  }
0x1b: {  	s9 =	sadd.s32 $0xFFFFFEF7, lr;
	s5 =	simm.s32 $0xFFFFFFFF;
	p2 =	slt.u32 s8, $0xFFFFF086  }
0x1c: {  	p1 =	slt.u32 s9, $0xF7A;
	s5 =	simm.s32 @!p2 $0x0  }
0x1d: {  	s5 =	simm.s32 @p1 $0x1;
	p0 =	seq.s32 s7, s2  }
0x1e: {  	s7 =	smul.u32 @!p0 $0xF7A, s2;
	p2 =	seq.s32 @!p0 s5, $0x0  }
0x1f: {  	s9 =	smul.u32 $0xF7A, s1;
	s8 =	simm.s32 @!p0 $0x1BF5;
	p2 =	por !p2, p0  }
0x20: {  	[sflag:s8] =	ssyncset.s32 @!p0 $0xFFFFF086;
	s6 =	sadd.s32 @!p0 s3, s7;
	s7 =	simm.s32 @!p0 $0x108  }
0x21: {  	s3 =	sadd.s32 s3, s9;
	s6 =	sadd.s32 @!p0 $0x88, s6;
	s7 =	simm.s32 @p2 $0x1082  }
0x22: {  	[simem:s7], [sflag:s8] =	dma.local @!p0 [hbm:s6], $0xF7A  }
0x23: {  	s9 =	sor.u32 $0xD0000000, s2;
	s6 =	simm.s32 $0x108;
	_ =	swait.ge @!p0 [sflag:s8], $0x0  }
0x24: {  	s3 =	sadd.s32 $0x88, s3;
	s6 =	simm.s32 @!p1 $0x1082;
	[sflag:s4] =	ssyncset.s32 $0xFFFFF086  }
0x25: {  	[simem:s6], [sflag:s4] =	dma.local [hbm:s3], $0xF7A  }
0x26: {  	[smem:$0x3F9A] =	sst s1;
	(tag) =	ssettag s2;
	_ =	strace s9  }
0x27: {  	s1 =	sld [smem:$0x3FAA]  }
0x28: {  	s2 =	sld [smem:$0x3FAB]  }
0x29: {  	s4 =	sld [smem:$0x3FAD]  }
0x2a: {  	p0 =	seq.s32 s5, $0x0;
	s5 =	sld [smem:$0x3FAE]  }
0x2b: {  	s6 =	sld [smem:$0x3FAF]  }
0x2c: {  	s7 =	sld [smem:$0x3FB0]  }
0x2d: {  	s3 =	simm.s32 $0x108;
	s8 =	sld [smem:$0x3FB1]  }
0x2e: {  	s3 =	simm.s32 @!p0 $0x1082;
	s9 =	sld [smem:$0x3FB2]  }
0x2f: {  	lr =	sadd.s32 s0, s3;
	s0 =	sld [smem:$0x3FA9]  }
0x30: {  	s3 =	sld [smem:$0x3FAC]  }
0x31: {  	[smem:$0x3FB5] =	sst s10  }
0x32: {  	s10 =	sld [smem:$0x3FB3];
	_ =	sdelay $0x3  }
0x33: {  	p0 =	seq.s32 s10, $0x1;
	s10 =	sld [smem:$0x3FB5];
	_ =	sdelay $0x3  }
0x34: {  	[smem:$0x3FB5] =	sst s10  }
0x35: {  	s10 =	sld [smem:$0x3FB4];
	_ =	sdelay $0x3  }
0x36: {  	p1 =	seq.s32 s10, $0x1;
	s10 =	sld [smem:$0x3FB5];
	_ =	sdelay $0x3  }
0x37: {  	[smem:$0x3FB5] =	sst s10  }
0x38: {  	s10 =	sld [smem:$0x3FB6]  }
0x39: {  	_ = 	snop;
	(pc) =	sbr.ind lr, $3  }
0x3a: {  	_ = 	snop  }
0x3b: {  	_ = 	snop  }
0x3c: {  	p2 =	seq.s32 s10, $0x1;
	s10 =	sld [smem:$0x3FB5]  }
0x3d: {  	_ =	shalt  }
0x3e: {  	_ =	shalt  }
0x3f: {  	_ =	shalt  }
0x40: {  	_ =	shalt  }
0x41: {  	_ =	shalt  }
0x42: {  	_ =	shalt  }
0x43: {  	_ =	shalt  }
0x44: {  	_ =	shalt  }
0x45: {  	_ =	shalt  }
0x46: {  	_ =	shalt  }
0x47: {  	_ =	shalt  }
0x48: {  	_ =	shalt  }
0x49: {  	_ =	shalt  }
0x4a: {  	_ =	shalt  }
0x4b: {  	_ =	shalt  }
0x4c: {  	_ =	shalt  }
0x4d: {  	_ =	shalt  }
0x4e: {  	_ =	shalt  }
0x4f: {  	_ =	shalt  }
0x50: {  	_ =	shalt  }
0x51: {  	_ =	shalt  }
0x52: {  	_ =	shalt  }
0x53: {  	_ =	shalt  }
0x54: {  	_ =	shalt  }
0x55: {  	_ =	shalt  }
0x56: {  	_ =	shalt  }
0x57: {  	_ =	shalt  }
0x58: {  	_ =	shalt  }
0x59: {  	_ =	shalt  }
0x5a: {  	_ =	shalt  }
0x5b: {  	_ =	shalt  }
0x5c: {  	_ =	shalt  }
0x5d: {  	_ =	shalt  }
0x5e: {  	_ =	shalt  }
0x5f: {  	_ =	shalt  }
0x60: {  	_ =	shalt  }
0x61: {  	_ =	shalt  }
0x62: {  	_ =	shalt  }
0x63: {  	_ =	shalt  }
0x64: {  	_ =	shalt  }
0x65: {  	_ =	shalt  }
0x66: {  	_ =	shalt  }
0x67: {  	_ =	shalt  }
0x68: {  	_ =	shalt  }
0x69: {  	_ =	shalt  }
0x6a: {  	_ =	shalt  }
0x6b: {  	_ =	shalt  }
0x6c: {  	_ =	shalt  }
0x6d: {  	_ =	shalt  }
0x6e: {  	_ =	shalt  }
0x6f: {  	_ =	shalt  }
0x70: {  	_ =	shalt  }
0x71: {  	_ =	shalt  }
0x72: {  	_ =	shalt  }
0x73: {  	_ =	shalt  }
0x74: {  	_ =	shalt  }
0x75: {  	_ =	shalt  }
0x76: {  	_ =	shalt  }
0x77: {  	_ =	shalt  }
0x78: {  	_ =	shalt  }
0x79: {  	_ =	shalt  }
0x7a: {  	_ =	shalt  }
0x7b: {  	_ =	shalt  }
0x7c: {  	_ =	shalt  }
0x7d: {  	_ =	shalt  }
0x7e: {  	_ =	shalt  }
0x7f: {  	_ =	shalt  }
0x80: {  	_ =	shalt  }
0x81: {  	_ =	shalt  }
0x82: {  	_ =	shalt  }
0x83: {  	_ =	shalt  }
0x84: {  	_ =	shalt  }
0x85: {  	_ =	shalt  }
0x86: {  	_ =	shalt  }
0x87: {  	_ =	shalt  }
.Lfunc_end0:
.L_simem_size_0:
called_computation.3_lowered:
.L_overlay_start_0:
0x88: {  	s2 =	sld [smem:$0x3FD9]  }
0x89: {  	s3 =	sld [smem:$0x3FFE];
	_ =	sdelay $0x1  }
0x8a: {  	s1 =	srdreg.scid  }
0x8b: {  	s0 =	sand.u32 $0x1, s1  }
0x8c: {  	s16 =	sshll.u32 s0, $0xA;
	s2 =	sadd.s32 s3, s2  }
0x8d: {  	s2 =	sadd.s32 s2, s16  }
0x8e: {  	[smem:$0x3FC1] =	sst s2  }
0x8f: {  	_ = 	snop  }
0x90: {  	(tm) =	ssettm $0x1  }
0x91: {  	s17 =	sld [smem:$0x3FFB];
	_ =	sdelay $0x3  }
0x92: {  	_ =	strace s17  }
0x93: {  	s2 =	sld [smem:$0x3FFC];
	_ =	sdelay $0x3  }
0x94: {  	_ =	strace s2  }
0x95: {  	s2 =	sld [smem:$0x3FFD];
	_ =	sdelay $0x3  }
0x96: {  	_ =	strace s2  }
0x97: {  	_ =	strace $0x8FFFFFFF  }
0x98: {  	s18 =	sld [smem:$0x3FDB];
	_ =	sdelay $0x1  }
0x99: {  	s19 =	simm.s32 $_scs_section_size  }
0x9a: {  	s4 =	simm.s32 $_size__tile_overlayer_lowered;
	s5 =	simm.s32 $_tile_overlayer_lowered  }
0x9b: {  	s22 =	simm.s32 $0x1BFF;
	s21 =	sshll.u32 s5, $0x1;
	s2 =	sadd.s32 s19, s18  }
0x9c: {  	s6 =	simm.s32 $0x0;
	s20 =	sshll.u32 s4, $0x1;
	s4 =	sadd.s32 s21, s2  }
0x9d: {  	[timem:s6], [sflag:s22] =	dma.local [hbm:s4], s20  }
0x9e: {  	_ =	swait.ge [sflag:s22], s20  }
0x9f: {  	s3 =	ssub.s32 $0x0, s20;
	[sflag:s22] =	ssyncset.done $0x0  }
0xa0: {  	[sflag:s22] =	ssyncadd.s32 s3;
	_ =	sdelay $0x1  }
0xa1: {  	s23 =	simm.s32 $0x1B8B  }
0xa2: {  	_ =	swait.ge [sflag:s23], $0x1  }
0xa3: {  	[sflag:s23] =	ssyncset.done $0x0  }
0xa4: {  	s25 =	simm.s32 $0x1B8E;
	s24 =	sld [smem:$0x3FFE];
	[sflag:s23] =	ssyncadd.s32 $0xFFFFFFFF  }
0xa5: {  	s26 =	simm.s32 $execute0_lowered;
	[smem:$0x3FD2] =	sst s25  }
0xa6: {  	s4 =	sshll.u32 s26, $0x1;
	_ =	strace $0x8000004F;
	[dreg:$0x1] =	wrdreg $0xFFFFFFFF  }
0xa7: {  	s28 =	simm.s32 $_size_execute0_lowered;
	s2 =	sadd.s32 s2, s4;
	[dreg:$0x0] =	wrdreg $0x0  }
0xa8: {  	s4 =	sshll.u32 s28, $0x1;
	[dreg:$0x2] =	wrdreg s2  }
0xa9: {  	[dreg:$0x3] =	wrdreg s4  }
0xaa: {  	[dreg:$0x4] =	wrdreg $0xC0  }
0xab: {  	_ =	task [dreg:s6], $0x5FFFF  }
0xac: {  	[dreg:$0x1] =	wrdreg $0xFFFFFFFF  }
0xad: {  	[dreg:$0x0] =	wrdreg $0x60  }
0xae: {  	[dreg:$0x2] =	wrdreg s24  }
0xaf: {  	[dreg:$0x3] =	wrdreg $0x0  }
0xb0: {  	[dreg:$0x4] =	wrdreg $0x9  }
0xb1: {  	_ =	task.clear_ibuf [dreg:s6], $0x5FFFF;
	_ =	strace $0x9000004F  }
0xb2: {  	s29 =	simm.s32 $0x9;
	_ =	strace $0x80000051  }
0xb3: {  	_ =	swait.ge [sflag:s29], $0x1  }
0xb4: {  	[sflag:s29] =	ssyncadd.s32 $0xFFFFFFFF  }
0xb5: {  	_ =	strace $0x90000051  }
0xb6: {  	_ =	sfence  }
0xb7: {  	s30 =	sld [smem:$0x0];
	_ =	sdelay $0x2  }
0xb8: {  	s31 =	sshll.u32 s1, $0xD;
	s1 =	sshrl.u32 s1, $0x2  }
0xb9: {  	s3 =	sand.u32 $0x4000, s31;
	s1 =	sadd.s32 s1, s30  }
0xba: {  	s0 =	sor.u32 s3, s0;
	s1 =	sshll.u32 s1, $0x11  }
0xbb: {  	s0 =	sor.u32 s1, s0  }
0xbc: {  	s0 =	sadd.s32 $0x8F2B, s0  }
0xbd: {  	[sflag:s0] =	ssyncadd.remote.s32 $0x1  }
0xbe: {  	_ =	sfence.sel $0xFFFF  }
0xbf: {  	[dreg:$0x0] =	wrdreg $0xFFFFFFFF;
	(pc) =	sbr.abs _section_cstart, $3  }
0xc0: {  	[dreg:$0x1] =	wrdreg $0xFFFFFFFF  }
0xc1: {  	_ =	task.clear_ibuf [dreg:s6], $0x2FFFF;
	_ =	strace $0x9FFFFFFF  }
0xc2: {  	(tm) =	ssettm $0x7FFFFFFF  }
0xc3: {  	_ =	shalt  }
tec
execute0_lowered:
.L_overlay_start_1:
0x0: {  	(tag) =	ssettag $0x1  }
0x1: {  	s1 =	srdreg.scid  }
0x2: {  	s0 =	stileid.u32;
	s8 =	rddreg [dreg:$0x0]  }
0x3: {  	s2 =	rddreg [dreg:$0x1];
	s3 =	simm.s32 $0x0;
	s17 =	simm.s32 $0x2  }
0x4: {  	s21 =	simm.s32 $0x13900;
	s22 =	simm.s32 $0x13980;
	s4 =	smul.u32 $0x2780, s0  }
0x5: {  	s23 =	simm.s32 $0x80;
	s24 =	simm.s32 $0x13A00;
	s6 =	smul.u32 $0x4F0, s0  }
0x6: {  	s7 =	sand.u32 $0x1, s1;
	[smem:$0x7FF] =	sst s3;
	s9 =	smul.u32 $0x4E000, s0  }
0x7: {  	s10 =	sadd.s32 $0xFF400, s8;
	s26 =	smul.u32 $0x270, s0;
	s29 =	sshll.u32 s0, $0x6  }
0x8: {  	s20 =	sadd.s32 $0x138000, s2;
	p0 =	sne.s32 s0, $0xF;
	s5 =	smul.u32 $0x27800, s7  }
0x9: {  	_ =	strace $0x80000050;
	s25 =	ssub.s32 $0x2, s7;
	s30 =	smul.u32 $0x2710, s7  }
0xa: {  	s12 =	smul.u32 $0x138800, s7;
	s7 =	sadd.s32 $0x153900, s8;
	s20 =	sshrl.u32 @!p0 s20, $0x3  }
0xb: {  	s15 =	sadd.s32 s6, s8;
	s11 =	sshrl.u32 s25, $0x1;
	s28 =	sshrl.u32 s9, $0x2  }
0xc: {  	s6 =	sor.u32 $0x1C02, s29;
	s4 =	sadd.s32 s4, s5;
	s13 =	ssub.s32 s25, s11  }
0xd: {  	s16 =	sadd.s32 s28, s2;
	s9 =	sadd.s32 s26, s30;
	s31 =	sshrl.u32 s12, $0x3  }
0xe: {  	s15 =	sadd.s32 $0xFE00, s15;
	s25 =	simm.s32 $0x1;
	s26 =	simm.s32 $0x0  }
0xf: {  	s5 =	sshrl.u32 s4, $0x3;
	s4 =	sadd.s32 $0xB1200, s8;
	s18 =	sadd.s32 $0x6800, s16  }
0x10: {  	s19 =	sadd.s32 $0xD000, s16;
	s9 =	sshll.u32 s9, $0x4;
	s12 =	sadd.s32 s10, s31  }
0x11: {  	s13 =	smax.u32 s13, $0x1;
	s16 =	sshrl.u32 s16, $0x3;
	s14 =	sadd.s32 s5, s8  }
0x12: {  	s5 =	sadd.s32 $0x152C00, s8;
	s8 =	sadd.s32 $0x154600, s8;
	s9 =	sadd.s32 s10, s9  }
0x13: {  	s12 =	sadd.s32 $0x27000, s12;
	s18 =	sshrl.u32 s18, $0x3;
	s19 =	sshrl.u32 s19, $0x3  }
0x14: {  	s10 =	sadd.s32 $0xD00, s9;
	s11 =	sadd.s32 $0x1A00, s9;
	s14 =	sadd.s32 $0x6000, s14  }
.LBB2_1:
0x15: {  	[spmem:s16], [sflag:s6] =	dma.local [hbm:s5], $0xD00  }
0x16: {  	_ =	swait.ge [sflag:s17], $0xD00  }
0x17: {  	[sflag:s17] =	ssyncset.done $0x0  }
0x18: {  	[sflag:s17] =	ssyncadd.s32 $0xFFFFF300  }
0x19: {  	[spmem:s18], [sflag:s6] =	dma.local [hbm:s7], $0xD00  }
0x1a: {  	_ =	swait.ge [sflag:s17], $0xD00  }
0x1b: {  	[sflag:s17] =	ssyncset.done $0x0  }
0x1c: {  	[sflag:s17] =	ssyncadd.s32 $0xFFFFF300  }
0x1d: {  	[spmem:s19], [sflag:s6] =	dma.local [hbm:s8], $0xD00  }
0x1e: {  	_ =	swait.ge [sflag:s17], $0xD00  }
0x1f: {  	[sflag:s17] =	ssyncset.done $0x0  }
0x20: {  	s28 =	simm.s32 @!p0 $0x2;
	[sflag:s17] =	ssyncadd.s32 $0xFFFFF300  }
0x21: {  	[spmem:s20], [sflag:s6] =	dma.local @!p0 [hbm:s5], $0x100  }
0x22: {  	_ =	swait.ge @!p0 [sflag:s28], $0x100  }
0x23: {  	[sflag:s28] =	ssyncset.done @!p0 $0x0  }
0x24: {  	[sflag:s28] =	ssyncadd.s32 @!p0 $0xFFFFFF00  }
0x25: {  	s28 =	sadd.s32 $0x0, s14;
	[bflag:$0x0] =	sbarrier.arrive $0xFFFF  }
0x26: {  	[tilespmem:s21], [sflag:$0x2] =	stream.linear.gather [hbm4b:s28+s3], $0x80, $0x38;
	[tilespmem:$0x17A00] =	vst v63  }
0x27: {  	_ =	swait.ge [sflag:s17], $0x80  }
0x28: {  	[sflag:s17] =	ssyncset.done $0x0  }
0x29: {  	s28 =	sadd.s32 $0x0, s15;
	[sflag:s17] =	ssyncadd.s32 $0xFFFFFF80  }
0x2a: {  	[tilespmem:s22], [sflag:$0x2] =	stream.linear.gather [hbm4b:s28+s3], $0x80, $0x38;
	[tilespmem:$0x17A00] =	vst v63  }
0x2b: {  	_ =	swait.ge [sflag:s17], $0x80  }
0x2c: {  	[sflag:s17] =	ssyncset.done $0x0  }
0x2d: {  	[sflag:s17] =	ssyncadd.s32 $0xFFFFFF80  }
0x2e: {  	[tilespmem:s24], [sflag:$0x1] =	stream.indirect.gather [hbm4b:s4+s23], $0x80, s21, s23, $0xb8;
	[tilespmem:$0x17A00] =	vst v63  }
0x2f: {  	_ =	swait.ge [sflag:s25], $0x4000  }
0x30: {  	[sflag:s25] =	ssyncset.done $0x0  }
0x31: {  	[sflag:s25] =	ssyncadd.s32 $0xFFFFC000  }
0x32: {  	[spmem:s2] =	stream.indirect.scatter.add.f32 [tilespmem:s24], [sflag:$0x1], $0x80, s22, s23, $0xb8;
	[tilespmem:$0x17A00] =	vst v63  }
0x33: {  	_ =	swait.ge [sflag:s25], $0x4000  }
0x34: {  	s29 =	simm.s32 $0x20;
	s28 =	simm.s32 $0x10;
	[sflag:s25] =	ssyncset.done $0x0  }
.LBB2_2:
0x35: {  	s30 =	sadd.s32 s28, s14  }
0x36: {  	[sflag:s25] =	ssyncadd.s32 $0xFFFFC000;
	s31 =	smov.u32 s29;
	s1 =	sadd.s32 $0x10, s29  }
0x37: {  	[tilespmem:s21], [sflag:$0x2] =	stream.linear.gather [hbm4b:s30+s3], $0x80, $0x38;
	[tilespmem:$0x17A00] =	vst v63  }
0x38: {  	p1 =	sne.s32 s29, $0x4E0;
	_ =	swait.ge [sflag:s17], $0x80  }
0x39: {  	[sflag:s17] =	ssyncset.done $0x0  }
0x3a: {  	s29 =	sadd.s32 s28, s15;
	s28 =	smov.u32 s31;
	[sflag:s17] =	ssyncadd.s32 $0xFFFFFF80  }
0x3b: {  	[tilespmem:s22], [sflag:$0x2] =	stream.linear.gather [hbm4b:s29+s3], $0x80, $0x38;
	[tilespmem:$0x17A00] =	vst v63  }
0x3c: {  	_ =	swait.ge [sflag:s17], $0x80  }
0x3d: {  	[sflag:s17] =	ssyncset.done $0x0  }
0x3e: {  	[sflag:s17] =	ssyncadd.s32 $0xFFFFFF80  }
0x3f: {  	[tilespmem:s24], [sflag:$0x1] =	stream.indirect.gather [hbm4b:s4+s23], $0x80, s21, s23, $0xb8;
	[tilespmem:$0x17A00] =	vst v63  }
0x40: {  	_ =	swait.ge [sflag:s25], $0x4000  }
.Ltmp0:
0x41: {  	[sflag:s25] =	ssyncset.done $0x0;
	(pc) =	sbr.rel @p1 .LBB2_2-.Ltmp0, $4  }
0x42: {  	[sflag:s25] =	ssyncadd.s32 $0xFFFFC000  }
0x43: {  	[spmem:s2] =	stream.indirect.scatter.add.f32 [tilespmem:s24], [sflag:$0x1], $0x80, s22, s23, $0xb8;
	[tilespmem:$0x17A00] =	vst v63  }
0x44: {  	_ =	swait.ge [sflag:s25], $0x4000  }
0x45: {  	s29 =	smov.u32 s1;
	[sflag:s25] =	ssyncset.done $0x0  }
0x46: {  	s1 =	sadd.s32 s28, s14;
	[sflag:s25] =	ssyncadd.s32 $0xFFFFC000  }
0x47: {  	[tilespmem:s21], [sflag:$0x2] =	stream.linear.gather [hbm4b:s1+s3], $0x80, $0x38;
	[tilespmem:$0x17A00] =	vst v63  }
0x48: {  	_ =	swait.ge [sflag:s17], $0x80  }
0x49: {  	[sflag:s17] =	ssyncset.done $0x0  }
0x4a: {  	s31 =	sadd.s32 s28, s15;
	[sflag:s17] =	ssyncadd.s32 $0xFFFFFF80  }
0x4b: {  	[tilespmem:s22], [sflag:$0x2] =	stream.linear.gather [hbm4b:s31+s3], $0x80, $0x38;
	[tilespmem:$0x17A00] =	vst v63  }
0x4c: {  	_ =	swait.ge [sflag:s17], $0x80  }
0x4d: {  	[sflag:s17] =	ssyncset.done $0x0  }
0x4e: {  	[sflag:s17] =	ssyncadd.s32 $0xFFFFFF80  }
0x4f: {  	[tilespmem:s24], [sflag:$0x1] =	stream.indirect.gather [hbm4b:s4+s23], $0x80, s21, s23, $0xb8;
	[tilespmem:$0x17A00] =	vst v63  }
0x50: {  	_ =	swait.ge [sflag:s25], $0x4000  }
0x51: {  	[sflag:s25] =	ssyncset.done $0x0  }
0x52: {  	[sflag:s25] =	ssyncadd.s32 $0xFFFFC000  }
0x53: {  	[spmem:s2] =	stream.indirect.scatter.add.f32 [tilespmem:s24], [sflag:$0x1], $0x80, s22, s23, $0xb8;
	[tilespmem:$0x17A00] =	vst v63  }
0x54: {  	_ =	swait.ge [sflag:s25], $0x4000  }
0x55: {  	[sflag:s25] =	ssyncset.done $0x0  }
0x56: {  	[sflag:s25] =	ssyncadd.s32 $0xFFFFC000  }
0x57: {  	[bflag:$0x0] =	sbarrier.arrive $0xFFFF  }
0x58: {  	[hbm:s9], [sflag:s6] =	dma.local [spmem:s16], $0xD00  }
0x59: {  	_ =	swait.ge [sflag:s17], $0xD00  }
0x5a: {  	[sflag:s17] =	ssyncset.done $0x0  }
0x5b: {  	[sflag:s17] =	ssyncadd.s32 $0xFFFFF300  }
0x5c: {  	[hbm:s10], [sflag:s6] =	dma.local [spmem:s18], $0xD00  }
0x5d: {  	_ =	swait.ge [sflag:s17], $0xD00  }
0x5e: {  	[sflag:s17] =	ssyncset.done $0x0  }
0x5f: {  	[sflag:s17] =	ssyncadd.s32 $0xFFFFF300  }
0x60: {  	[hbm:s11], [sflag:s6] =	dma.local [spmem:s19], $0xD00  }
0x61: {  	s26 =	sadd.s32 $0x1, s26;
	_ =	swait.ge [sflag:s17], $0xD00  }
0x62: {  	p1 =	sne.s32 s26, s13;
	[sflag:s17] =	ssyncset.done $0x0  }
.Ltmp1:
0x63: {  	s1 =	simm.s32 @!p0 $0x2;
	[sflag:s17] =	ssyncadd.s32 $0xFFFFF300;
	(pc) =	sbr.rel @p1 .LBB2_1-.Ltmp1, $4  }
0x64: {  	[hbm:s12], [sflag:s6] =	dma.local @!p0 [spmem:s20], $0x100  }
0x65: {  	_ =	swait.ge @!p0 [sflag:s1], $0x100  }
0x66: {  	[sflag:s1] =	ssyncset.done @!p0 $0x0  }
0x67: {  	[sflag:s1] =	ssyncadd.s32 @!p0 $0xFFFFFF00  }
0x68: {  	_ =	sfence.sel $0x180000  }
0x69: {  	[bflag:$0x0] =	sbarrier.arrive $0xFFFF  }
0x6a: {  	_ =	strace $0x90000050  }
0x6b: {  	[bflag:$0x2] =	sbarrier.arrive $0xFFFF  }
0x6c: {  	p0 =	sne.s32 s0, $0x0;
	s0 =	rddreg [dreg:$0x2]  }
0x6d: {  	s0 =	sadd.s32 @!p0 $0x100000, s0  }
0x6e: {  	[sflag:s0] =	ssyncadd.tile.s32 @!p0 $0x1;
	_ =	shalt  }
.Lfunc_end2:
_tile_overlayer_lowered:
.L_overlay_start_2:
0x6f: {  	(tag) =	ssettag $0x2  }
0x70: {  	s0 =	rddreg [dreg:$0x0];
	s2 =	stileid.u32  }
0x71: {  	s1 =	rddreg [dreg:$0x1];
	p0 =	sne.s32 s2, $0x0  }
0x72: {  	s3 =	rddreg [dreg:$0x2];
	[bflag:$0x3] =	sbarrier.arrive $0xFFFF;
	s2 =	simm.s32 @!p0 $0x1C02  }
0x73: {  	[timem:s3], [sflag:s2] =	dma.local @!p0 [hbm:s0], s1  }
0x74: {  	s0 =	simm.s32 @!p0 $0x2  }
0x75: {  	_ =	swait.ge @!p0 [sflag:s0], s1  }
0x76: {  	s1 =	ssub.s32 @!p0 $0x0, s1;
	[sflag:s0] =	ssyncset.done @!p0 $0x0  }
0x77: {  	[sflag:s0] =	ssyncadd.s32 @!p0 s1  }
0x78: {  	[bflag:$0x3] =	sbarrier.arrive $0xFFFF  }
0x79: {  	_ =	shalt  }

// kernel: kernel.8.cloned.1.call-start
scs
__scs_entry_jumppad:
0x0: {  	(pc) =	sbr.rel $0x88, $3  }
0x1: {  	(tag) =	ssettag $0x0;
	lr =	simm.s32 $0x1  }
0x2: {  	[smem:$0x3F9A] =	sst lr;
	_ =	strace $0xD0000000  }
0x3: {  	_ = 	snop  }
0x4: {  	_ = 	snop  }
0x5: {  	_ = 	snop  }
0x6: {  	_ = 	snop  }
0x7: {  	_ = 	snop  }
__scs_overlays_trampoline_lowered:
0x8: {  	[smem:$0x3FA9] =	sst s0  }
0x9: {  	[smem:$0x3FAA] =	sst s1  }
0xa: {  	[smem:$0x3FAB] =	sst s2  }
0xb: {  	[smem:$0x3FAC] =	sst s3  }
0xc: {  	[smem:$0x3FAD] =	sst s4  }
0xd: {  	[smem:$0x3FAE] =	sst s5  }
0xe: {  	[smem:$0x3FAF] =	sst s6  }
0xf: {  	[smem:$0x3FB0] =	sst s7  }
0x10: {  	[smem:$0x3FB1] =	sst s8  }
0x11: {  	[smem:$0x3FB2] =	sst s9;
	s0 =	simm.s32 @!p0 $0x0  }
0x12: {  	s1 =	sld [smem:$0x3F98];
	s0 =	simm.s32 @p0 $0x1  }
0x13: {  	[smem:$0x3FB3] =	sst s0;
	s0 =	simm.s32 @!p1 $0x0  }
0x14: {  	s2 =	sld [smem:$0x3F97];
	s0 =	simm.s32 @p1 $0x1  }
0x15: {  	[smem:$0x3FB4] =	sst s0;
	s0 =	simm.s32 @!p2 $0x0  }
0x16: {  	s3 =	sld [smem:$0x3FDB];
	s0 =	simm.s32 @p2 $0x1  }
0x17: {  	s4 =	simm.s32 $0x1BF5;
	[smem:$0x3FB6] =	sst s0  }
0x18: {  	s0 =	sld [smem:$0x3F99];
	_ =	swait.ge [sflag:s4], $0x0  }
0x19: {  	s7 =	sld [smem:$0x3F9A]  }
0x1a: {  	s8 =	sadd.s32 $0xFFFFE003, lr  }
0x1b: {  	s9 =	sadd.s32 $0xFFFFFEF7, lr;
	s5 =	simm.s32 $0xFFFFFFFF;
	p2 =	slt.u32 s8, $0xFFFFF086  }
0x1c: {  	p1 =	slt.u32 s9, $0xF7A;
	s5 =	simm.s32 @!p2 $0x0  }
0x1d: {  	s5 =	simm.s32 @p1 $0x1;
	p0 =	seq.s32 s7, s2  }
0x1e: {  	s7 =	smul.u32 @!p0 $0xF7A, s2;
	p2 =	seq.s32 @!p0 s5, $0x0  }
0x1f: {  	s9 =	smul.u32 $0xF7A, s1;
	s8 =	simm.s32 @!p0 $0x1BF5;
	p2 =	por !p2, p0  }
0x20: {  	[sflag:s8] =	ssyncset.s32 @!p0 $0xFFFFF086;
	s6 =	sadd.s32 @!p0 s3, s7;
	s7 =	simm.s32 @!p0 $0x108  }
0x21: {  	s3 =	sadd.s32 s3, s9;
	s6 =	sadd.s32 @!p0 $0x88, s6;
	s7 =	simm.s32 @p2 $0x1082  }
0x22: {  	[simem:s7], [sflag:s8] =	dma.local @!p0 [hbm:s6], $0xF7A  }
0x23: {  	s9 =	sor.u32 $0xD0000000, s2;
	s6 =	simm.s32 $0x108;
	_ =	swait.ge @!p0 [sflag:s8], $0x0  }
0x24: {  	s3 =	sadd.s32 $0x88, s3;
	s6 =	simm.s32 @!p1 $0x1082;
	[sflag:s4] =	ssyncset.s32 $0xFFFFF086  }
0x25: {  	[simem:s6], [sflag:s4] =	dma.local [hbm:s3], $0xF7A  }
0x26: {  	[smem:$0x3F9A] =	sst s1;
	(tag) =	ssettag s2;
	_ =	strace s9  }
0x27: {  	s1 =	sld [smem:$0x3FAA]  }
0x28: {  	s2 =	sld [smem:$0x3FAB]  }
0x29: {  	s4 =	sld [smem:$0x3FAD]  }
0x2a: {  	p0 =	seq.s32 s5, $0x0;
	s5 =	sld [smem:$0x3FAE]  }
0x2b: {  	s6 =	sld [smem:$0x3FAF]  }
0x2c: {  	s7 =	sld [smem:$0x3FB0]  }
0x2d: {  	s3 =	simm.s32 $0x108;
	s8 =	sld [smem:$0x3FB1]  }
0x2e: {  	s3 =	simm.s32 @!p0 $0x1082;
	s9 =	sld [smem:$0x3FB2]  }
0x2f: {  	lr =	sadd.s32 s0, s3;
	s0 =	sld [smem:$0x3FA9]  }
0x30: {  	s3 =	sld [smem:$0x3FAC]  }
0x31: {  	[smem:$0x3FB5] =	sst s10  }
0x32: {  	s10 =	sld [smem:$0x3FB3];
	_ =	sdelay $0x3  }
0x33: {  	p0 =	seq.s32 s10, $0x1;
	s10 =	sld [smem:$0x3FB5];
	_ =	sdelay $0x3  }
0x34: {  	[smem:$0x3FB5] =	sst s10  }
0x35: {  	s10 =	sld [smem:$0x3FB4];
	_ =	sdelay $0x3  }
0x36: {  	p1 =	seq.s32 s10, $0x1;
	s10 =	sld [smem:$0x3FB5];
	_ =	sdelay $0x3  }
0x37: {  	[smem:$0x3FB5] =	sst s10  }
0x38: {  	s10 =	sld [smem:$0x3FB6]  }
0x39: {  	_ = 	snop;
	(pc) =	sbr.ind lr, $3  }
0x3a: {  	_ = 	snop  }
0x3b: {  	_ = 	snop  }
0x3c: {  	p2 =	seq.s32 s10, $0x1;
	s10 =	sld [smem:$0x3FB5]  }
0x3d: {  	_ =	shalt  }
0x3e: {  	_ =	shalt  }
0x3f: {  	_ =	shalt  }
0x40: {  	_ =	shalt  }
0x41: {  	_ =	shalt  }
0x42: {  	_ =	shalt  }
0x43: {  	_ =	shalt  }
0x44: {  	_ =	shalt  }
0x45: {  	_ =	shalt  }
0x46: {  	_ =	shalt  }
0x47: {  	_ =	shalt  }
0x48: {  	_ =	shalt  }
0x49: {  	_ =	shalt  }
0x4a: {  	_ =	shalt  }
0x4b: {  	_ =	shalt  }
0x4c: {  	_ =	shalt  }
0x4d: {  	_ =	shalt  }
0x4e: {  	_ =	shalt  }
0x4f: {  	_ =	shalt  }
0x50: {  	_ =	shalt  }
0x51: {  	_ =	shalt  }
0x52: {  	_ =	shalt  }
0x53: {  	_ =	shalt  }
0x54: {  	_ =	shalt  }
0x55: {  	_ =	shalt  }
0x56: {  	_ =	shalt  }
0x57: {  	_ =	shalt  }
0x58: {  	_ =	shalt  }
0x59: {  	_ =	shalt  }
0x5a: {  	_ =	shalt  }
0x5b: {  	_ =	shalt  }
0x5c: {  	_ =	shalt  }
0x5d: {  	_ =	shalt  }
0x5e: {  	_ =	shalt  }
0x5f: {  	_ =	shalt  }
0x60: {  	_ =	shalt  }
0x61: {  	_ =	shalt  }
0x62: {  	_ =	shalt  }
0x63: {  	_ =	shalt  }
0x64: {  	_ =	shalt  }
0x65: {  	_ =	shalt  }
0x66: {  	_ =	shalt  }
0x67: {  	_ =	shalt  }
0x68: {  	_ =	shalt  }
0x69: {  	_ =	shalt  }
0x6a: {  	_ =	shalt  }
0x6b: {  	_ =	shalt  }
0x6c: {  	_ =	shalt  }
0x6d: {  	_ =	shalt  }
0x6e: {  	_ =	shalt  }
0x6f: {  	_ =	shalt  }
0x70: {  	_ =	shalt  }
0x71: {  	_ =	shalt  }
0x72: {  	_ =	shalt  }
0x73: {  	_ =	shalt  }
0x74: {  	_ =	shalt  }
0x75: {  	_ =	shalt  }
0x76: {  	_ =	shalt  }
0x77: {  	_ =	shalt  }
0x78: {  	_ =	shalt  }
0x79: {  	_ =	shalt  }
0x7a: {  	_ =	shalt  }
0x7b: {  	_ =	shalt  }
0x7c: {  	_ =	shalt  }
0x7d: {  	_ =	shalt  }
0x7e: {  	_ =	shalt  }
0x7f: {  	_ =	shalt  }
0x80: {  	_ =	shalt  }
0x81: {  	_ =	shalt  }
0x82: {  	_ =	shalt  }
0x83: {  	_ =	shalt  }
0x84: {  	_ =	shalt  }
0x85: {  	_ =	shalt  }
0x86: {  	_ =	shalt  }
0x87: {  	_ =	shalt  }
.Lfunc_end0:
.L_simem_size_0:
called_computation.1_lowered:
.L_overlay_start_0:
0x88: {  	s2 =	sld [smem:$0x3FD9]  }
0x89: {  	s3 =	sld [smem:$0x3FFE];
	_ =	sdelay $0x1  }
0x8a: {  	s1 =	srdreg.scid  }
0x8b: {  	s0 =	sand.u32 $0x1, s1  }
0x8c: {  	s17 =	sshll.u32 s0, $0xA;
	s2 =	sadd.s32 s3, s2  }
0x8d: {  	s2 =	sadd.s32 s2, s17  }
0x8e: {  	[smem:$0x3FC1] =	sst s2  }
0x8f: {  	_ = 	snop  }
0x90: {  	(tm) =	ssettm $0x1  }
0x91: {  	s18 =	sld [smem:$0x3FFB];
	_ =	sdelay $0x3  }
0x92: {  	_ =	strace s18  }
0x93: {  	s2 =	sld [smem:$0x3FFC];
	_ =	sdelay $0x3  }
0x94: {  	_ =	strace s2  }
0x95: {  	s2 =	sld [smem:$0x3FFD];
	_ =	sdelay $0x3  }
0x96: {  	_ =	strace s2  }
0x97: {  	_ =	strace $0x8FFFFFFF  }
0x98: {  	s19 =	sld [smem:$0x3FDB];
	_ =	sdelay $0x1  }
0x99: {  	s20 =	simm.s32 $_scs_section_size  }
0x9a: {  	s4 =	simm.s32 $_size__tile_overlayer_lowered;
	s5 =	simm.s32 $_tile_overlayer_lowered  }
0x9b: {  	s6 =	simm.s32 $0x1BFF;
	s21 =	sshll.u32 s5, $0x1;
	s3 =	sadd.s32 s20, s19  }
0x9c: {  	s22 =	simm.s32 $0x0;
	s4 =	sshll.u32 s4, $0x1;
	s5 =	sadd.s32 s21, s3  }
0x9d: {  	[timem:s22], [sflag:s6] =	dma.local [hbm:s5], s4  }
0x9e: {  	_ =	swait.ge [sflag:s6], s4  }
0x9f: {  	s4 =	ssub.s32 $0x0, s4;
	[sflag:s6] =	ssyncset.done $0x0  }
0xa0: {  	[sflag:s6] =	ssyncadd.s32 s4;
	_ =	sdelay $0x1  }
0xa1: {  	s23 =	simm.s32 $0x1B8B  }
0xa2: {  	_ =	swait.ge [sflag:s23], $0x1  }
0xa3: {  	[sflag:s23] =	ssyncset.done $0x0  }
0xa4: {  	[sflag:s23] =	ssyncadd.s32 $0xFFFFFFFF  }
0xa5: {  	s4 =	sld [smem:$0x0]  }
0xa6: {  	s5 =	sand.u32 $0xFFFFFFFE, s1  }
0xa7: {  	p0 =	sne.s32 s1, s5  }
0xa8: {  	s5 =	sshll.u32 @p0 s5, $0xE  }
0xa9: {  	s5 =	sadd.s32 @p0 $0x11B8D, s5;
	s6 =	sshll.u32 @p0 s4, $0x11  }
0xaa: {  	s5 =	sor.u32 @p0 s6, s5  }
0xab: {  	[sflag:s5] =	ssyncadd.remote.s32 @p0 $0x1;
	_ =	sdelay $0x1  }
0xac: {  	s5 =	simm.s32 @p0 $0x1B8D  }
0xad: {  	_ =	swait.eq @p0 [sflag:s5], $0x1  }
0xae: {  	[sflag:s5] =	ssyncadd.s32 @p0 $0xFFFFFFFF  }
0xaf: {  	s6 =	sshll.u32 @!p0 s1, $0xE  }
0xb0: {  	s6 =	sor.u32 @!p0 $0x4000, s6;
	s5 =	simm.s32 @!p0 $0x1B8D  }
0xb1: {  	s4 =	sshll.u32 @!p0 s4, $0x11;
	s6 =	sadd.s32 @!p0 $0x11B8D, s6;
	_ =	swait.eq @!p0 [sflag:s5], $0x1  }
0xb2: {  	s4 =	sor.u32 @!p0 s4, s6;
	[sflag:s5] =	ssyncadd.s32 @!p0 $0xFFFFFFFF  }
0xb3: {  	s25 =	simm.s32 $0x1B8E;
	s24 =	sld [smem:$0x3FFE];
	[sflag:s4] =	ssyncadd.remote.s32 @!p0 $0x1  }
0xb4: {  	s26 =	simm.s32 $execute0_lowered;
	[smem:$0x3FD2] =	sst s25  }
0xb5: {  	s5 =	sshll.u32 s26, $0x1;
	_ =	strace $0x80000049;
	[dreg:$0x1] =	wrdreg $0xFFFFFFFF  }
0xb6: {  	s28 =	simm.s32 $_size_execute0_lowered;
	s3 =	sadd.s32 s3, s5;
	[dreg:$0x0] =	wrdreg $0x0  }
0xb7: {  	s5 =	sshll.u32 s28, $0x1;
	[dreg:$0x2] =	wrdreg s3  }
0xb8: {  	[dreg:$0x3] =	wrdreg s5  }
0xb9: {  	[dreg:$0x4] =	wrdreg $0xC0  }
0xba: {  	_ =	task [dreg:s22], $0x5FFFF  }
0xbb: {  	[dreg:$0x1] =	wrdreg $0xFFFFFFFF  }
0xbc: {  	[dreg:$0x0] =	wrdreg $0x60  }
0xbd: {  	[dreg:$0x2] =	wrdreg s24  }
0xbe: {  	[dreg:$0x3] =	wrdreg $0x0  }
0xbf: {  	[dreg:$0x4] =	wrdreg $0xA  }
0xc0: {  	_ =	task.clear_ibuf [dreg:s22], $0x5FFFF;
	_ =	strace $0x90000049  }
0xc1: {  	s29 =	simm.s32 $0xA;
	_ =	strace $0x8000004B  }
0xc2: {  	_ =	swait.ge [sflag:s29], $0x1  }
0xc3: {  	[sflag:s29] =	ssyncadd.s32 $0xFFFFFFFF  }
0xc4: {  	_ =	strace $0x9000004B  }
0xc5: {  	_ =	sfence  }
0xc6: {  	s30 =	sld [smem:$0x0];
	_ =	sdelay $0x2  }
0xc7: {  	s31 =	sshll.u32 s1, $0xD;
	s1 =	sshrl.u32 s1, $0x2  }
0xc8: {  	s4 =	sand.u32 $0x4000, s31;
	s1 =	sadd.s32 s1, s30  }
0xc9: {  	s0 =	sor.u32 s4, s0;
	s1 =	sshll.u32 s1, $0x11  }
0xca: {  	s0 =	sor.u32 s1, s0  }
0xcb: {  	s0 =	sadd.s32 $0x8F2B, s0  }
0xcc: {  	[sflag:s0] =	ssyncadd.remote.s32 $0x1  }
0xcd: {  	_ =	sfence.sel $0xFFFF  }
0xce: {  	[dreg:$0x0] =	wrdreg $0xFFFFFFFF;
	(pc) =	sbr.abs _section_cstart, $3  }
0xcf: {  	[dreg:$0x1] =	wrdreg $0xFFFFFFFF  }
0xd0: {  	_ =	task.clear_ibuf [dreg:s22], $0x2FFFF;
	_ =	strace $0x9FFFFFFF  }
0xd1: {  	(tm) =	ssettm $0x7FFFFFFF  }
tec
execute0_lowered:
.L_overlay_start_1:
0x0: {  	(tag) =	ssettag $0x1  }
0x1: {  	s1 =	srdreg.scid  }
0x2: {  	s0 =	stileid.u32;
	s8 =	rddreg [dreg:$0x0]  }
0x3: {  	s2 =	rddreg [dreg:$0x1];
	s3 =	simm.s32 $0x0;
	s17 =	simm.s32 $0x2  }
0x4: {  	s21 =	simm.s32 $0x13900;
	s22 =	simm.s32 $0x13980;
	s4 =	smul.u32 $0x2780, s0  }
0x5: {  	s23 =	simm.s32 $0x80;
	s24 =	simm.s32 $0x13A00;
	s6 =	smul.u32 $0x4F0, s0  }
0x6: {  	s7 =	sand.u32 $0x1, s1;
	[smem:$0x7FF] =	sst s3;
	s9 =	smul.u32 $0x4E000, s0  }
0x7: {  	s10 =	sadd.s32 $0x155400, s8;
	s26 =	smul.u32 $0x270, s0;
	s29 =	sshll.u32 s0, $0x6  }
0x8: {  	s20 =	sadd.s32 $0x138000, s2;
	p0 =	sne.s32 s0, $0xF;
	s5 =	smul.u32 $0x27800, s7  }
0x9: {  	_ =	strace $0x8000004A;
	s25 =	ssub.s32 $0x2, s7;
	s30 =	smul.u32 $0x2710, s7  }
0xa: {  	s12 =	smul.u32 $0x138800, s7;
	s7 =	sadd.s32 $0x153900, s8;
	s20 =	sshrl.u32 @!p0 s20, $0x3  }
0xb: {  	s15 =	sadd.s32 s6, s8;
	s11 =	sshrl.u32 s25, $0x1;
	s28 =	sshrl.u32 s9, $0x2  }
0xc: {  	s6 =	sor.u32 $0x1C02, s29;
	s4 =	sadd.s32 s4, s5;
	s13 =	ssub.s32 s25, s11  }
0xd: {  	s16 =	sadd.s32 s28, s2;
	s9 =	sadd.s32 s26, s30;
	s31 =	sshrl.u32 s12, $0x3  }
0xe: {  	s15 =	sadd.s32 $0xFE00, s15;
	s25 =	simm.s32 $0x1;
	s26 =	simm.s32 $0x0  }
0xf: {  	s5 =	sshrl.u32 s4, $0x3;
	s4 =	sadd.s32 $0xB1200, s8;
	s18 =	sadd.s32 $0x6800, s16  }
0x10: {  	s19 =	sadd.s32 $0xD000, s16;
	s9 =	sshll.u32 s9, $0x4;
	s12 =	sadd.s32 s10, s31  }
0x11: {  	s13 =	smax.u32 s13, $0x1;
	s16 =	sshrl.u32 s16, $0x3;
	s14 =	sadd.s32 s5, s8  }
0x12: {  	s5 =	sadd.s32 $0x152C00, s8;
	s8 =	sadd.s32 $0x154600, s8;
	s9 =	sadd.s32 s10, s9  }
0x13: {  	s12 =	sadd.s32 $0x27000, s12;
	s18 =	sshrl.u32 s18, $0x3;
	s19 =	sshrl.u32 s19, $0x3  }
0x14: {  	s10 =	sadd.s32 $0xD00, s9;
	s11 =	sadd.s32 $0x1A00, s9;
	s14 =	sadd.s32 $0x6000, s14  }
.LBB2_1:
0x15: {  	[spmem:s16], [sflag:s6] =	dma.local [hbm:s5], $0xD00  }
0x16: {  	_ =	swait.ge [sflag:s17], $0xD00  }
0x17: {  	[sflag:s17] =	ssyncset.done $0x0  }
0x18: {  	[sflag:s17] =	ssyncadd.s32 $0xFFFFF300  }
0x19: {  	[spmem:s18], [sflag:s6] =	dma.local [hbm:s7], $0xD00  }
0x1a: {  	_ =	swait.ge [sflag:s17], $0xD00  }
0x1b: {  	[sflag:s17] =	ssyncset.done $0x0  }
0x1c: {  	[sflag:s17] =	ssyncadd.s32 $0xFFFFF300  }
0x1d: {  	[spmem:s19], [sflag:s6] =	dma.local [hbm:s8], $0xD00  }
0x1e: {  	_ =	swait.ge [sflag:s17], $0xD00  }
0x1f: {  	[sflag:s17] =	ssyncset.done $0x0  }
0x20: {  	s28 =	simm.s32 @!p0 $0x2;
	[sflag:s17] =	ssyncadd.s32 $0xFFFFF300  }
0x21: {  	[spmem:s20], [sflag:s6] =	dma.local @!p0 [hbm:s5], $0x100  }
0x22: {  	_ =	swait.ge @!p0 [sflag:s28], $0x100  }
0x23: {  	[sflag:s28] =	ssyncset.done @!p0 $0x0  }
0x24: {  	[sflag:s28] =	ssyncadd.s32 @!p0 $0xFFFFFF00  }
0x25: {  	s28 =	sadd.s32 $0x0, s14;
	[bflag:$0x0] =	sbarrier.arrive $0xFFFF  }
0x26: {  	[tilespmem:s21], [sflag:$0x2] =	stream.linear.gather [hbm4b:s28+s3], $0x80, $0x38;
	[tilespmem:$0x17A00] =	vst v63  }
0x27: {  	_ =	swait.ge [sflag:s17], $0x80  }
0x28: {  	[sflag:s17] =	ssyncset.done $0x0  }
0x29: {  	s28 =	sadd.s32 $0x0, s15;
	[sflag:s17] =	ssyncadd.s32 $0xFFFFFF80  }
0x2a: {  	[tilespmem:s22], [sflag:$0x2] =	stream.linear.gather [hbm4b:s28+s3], $0x80, $0x38;
	[tilespmem:$0x17A00] =	vst v63  }
0x2b: {  	_ =	swait.ge [sflag:s17], $0x80  }
0x2c: {  	[sflag:s17] =	ssyncset.done $0x0  }
0x2d: {  	[sflag:s17] =	ssyncadd.s32 $0xFFFFFF80  }
0x2e: {  	[tilespmem:s24], [sflag:$0x1] =	stream.indirect.gather [hbm4b:s4+s23], $0x80, s21, s23, $0xb8;
	[tilespmem:$0x17A00] =	vst v63  }
0x2f: {  	_ =	swait.ge [sflag:s25], $0x4000  }
0x30: {  	[sflag:s25] =	ssyncset.done $0x0  }
0x31: {  	[sflag:s25] =	ssyncadd.s32 $0xFFFFC000  }
0x32: {  	[spmem:s2] =	stream.indirect.scatter.add.f32 [tilespmem:s24], [sflag:$0x1], $0x80, s22, s23, $0xb8;
	[tilespmem:$0x17A00] =	vst v63  }
0x33: {  	_ =	swait.ge [sflag:s25], $0x4000  }
0x34: {  	s29 =	simm.s32 $0x20;
	s28 =	simm.s32 $0x10;
	[sflag:s25] =	ssyncset.done $0x0  }
.LBB2_2:
0x35: {  	s30 =	sadd.s32 s28, s14  }
0x36: {  	[sflag:s25] =	ssyncadd.s32 $0xFFFFC000;
	s31 =	smov.u32 s29;
	s1 =	sadd.s32 $0x10, s29  }
0x37: {  	[tilespmem:s21], [sflag:$0x2] =	stream.linear.gather [hbm4b:s30+s3], $0x80, $0x38;
	[tilespmem:$0x17A00] =	vst v63  }
0x38: {  	p1 =	sne.s32 s29, $0x4E0;
	_ =	swait.ge [sflag:s17], $0x80  }
0x39: {  	[sflag:s17] =	ssyncset.done $0x0  }
0x3a: {  	s29 =	sadd.s32 s28, s15;
	s28 =	smov.u32 s31;
	[sflag:s17] =	ssyncadd.s32 $0xFFFFFF80  }
0x3b: {  	[tilespmem:s22], [sflag:$0x2] =	stream.linear.gather [hbm4b:s29+s3], $0x80, $0x38;
	[tilespmem:$0x17A00] =	vst v63  }
0x3c: {  	_ =	swait.ge [sflag:s17], $0x80  }
0x3d: {  	[sflag:s17] =	ssyncset.done $0x0  }
0x3e: {  	[sflag:s17] =	ssyncadd.s32 $0xFFFFFF80  }
0x3f: {  	[tilespmem:s24], [sflag:$0x1] =	stream.indirect.gather [hbm4b:s4+s23], $0x80, s21, s23, $0xb8;
	[tilespmem:$0x17A00] =	vst v63  }
0x40: {  	_ =	swait.ge [sflag:s25], $0x4000  }
.Ltmp0:
0x41: {  	[sflag:s25] =	ssyncset.done $0x0;
	(pc) =	sbr.rel @p1 .LBB2_2-.Ltmp0, $4  }
0x42: {  	[sflag:s25] =	ssyncadd.s32 $0xFFFFC000  }
0x43: {  	[spmem:s2] =	stream.indirect.scatter.add.f32 [tilespmem:s24], [sflag:$0x1], $0x80, s22, s23, $0xb8;
	[tilespmem:$0x17A00] =	vst v63  }
0x44: {  	_ =	swait.ge [sflag:s25], $0x4000  }
0x45: {  	s29 =	smov.u32 s1;
	[sflag:s25] =	ssyncset.done $0x0  }
0x46: {  	s1 =	sadd.s32 s28, s14;
	[sflag:s25] =	ssyncadd.s32 $0xFFFFC000  }
0x47: {  	[tilespmem:s21], [sflag:$0x2] =	stream.linear.gather [hbm4b:s1+s3], $0x80, $0x38;
	[tilespmem:$0x17A00] =	vst v63  }
0x48: {  	_ =	swait.ge [sflag:s17], $0x80  }
0x49: {  	[sflag:s17] =	ssyncset.done $0x0  }
0x4a: {  	s31 =	sadd.s32 s28, s15;
	[sflag:s17] =	ssyncadd.s32 $0xFFFFFF80  }
0x4b: {  	[tilespmem:s22], [sflag:$0x2] =	stream.linear.gather [hbm4b:s31+s3], $0x80, $0x38;
	[tilespmem:$0x17A00] =	vst v63  }
0x4c: {  	_ =	swait.ge [sflag:s17], $0x80  }
0x4d: {  	[sflag:s17] =	ssyncset.done $0x0  }
0x4e: {  	[sflag:s17] =	ssyncadd.s32 $0xFFFFFF80  }
0x4f: {  	[tilespmem:s24], [sflag:$0x1] =	stream.indirect.gather [hbm4b:s4+s23], $0x80, s21, s23, $0xb8;
	[tilespmem:$0x17A00] =	vst v63  }
0x50: {  	_ =	swait.ge [sflag:s25], $0x4000  }
0x51: {  	[sflag:s25] =	ssyncset.done $0x0  }
0x52: {  	[sflag:s25] =	ssyncadd.s32 $0xFFFFC000  }
0x53: {  	[spmem:s2] =	stream.indirect.scatter.add.f32 [tilespmem:s24], [sflag:$0x1], $0x80, s22, s23, $0xb8;
	[tilespmem:$0x17A00] =	vst v63  }
0x54: {  	_ =	swait.ge [sflag:s25], $0x4000  }
0x55: {  	[sflag:s25] =	ssyncset.done $0x0  }
0x56: {  	[sflag:s25] =	ssyncadd.s32 $0xFFFFC000  }
0x57: {  	[bflag:$0x0] =	sbarrier.arrive $0xFFFF  }
0x58: {  	[hbm:s9], [sflag:s6] =	dma.local [spmem:s16], $0xD00  }
0x59: {  	_ =	swait.ge [sflag:s17], $0xD00  }
0x5a: {  	[sflag:s17] =	ssyncset.done $0x0  }
0x5b: {  	[sflag:s17] =	ssyncadd.s32 $0xFFFFF300  }
0x5c: {  	[hbm:s10], [sflag:s6] =	dma.local [spmem:s18], $0xD00  }
0x5d: {  	_ =	swait.ge [sflag:s17], $0xD00  }
0x5e: {  	[sflag:s17] =	ssyncset.done $0x0  }
0x5f: {  	[sflag:s17] =	ssyncadd.s32 $0xFFFFF300  }
0x60: {  	[hbm:s11], [sflag:s6] =	dma.local [spmem:s19], $0xD00  }
0x61: {  	s26 =	sadd.s32 $0x1, s26;
	_ =	swait.ge [sflag:s17], $0xD00  }
0x62: {  	p1 =	sne.s32 s26, s13;
	[sflag:s17] =	ssyncset.done $0x0  }
.Ltmp1:
0x63: {  	s1 =	simm.s32 @!p0 $0x2;
	[sflag:s17] =	ssyncadd.s32 $0xFFFFF300;
	(pc) =	sbr.rel @p1 .LBB2_1-.Ltmp1, $4  }
0x64: {  	[hbm:s12], [sflag:s6] =	dma.local @!p0 [spmem:s20], $0x100  }
0x65: {  	_ =	swait.ge @!p0 [sflag:s1], $0x100  }
0x66: {  	[sflag:s1] =	ssyncset.done @!p0 $0x0  }
0x67: {  	[sflag:s1] =	ssyncadd.s32 @!p0 $0xFFFFFF00  }
0x68: {  	_ =	sfence.sel $0x180000  }
0x69: {  	[bflag:$0x0] =	sbarrier.arrive $0xFFFF  }
0x6a: {  	_ =	strace $0x9000004A  }
0x6b: {  	[bflag:$0x2] =	sbarrier.arrive $0xFFFF  }
0x6c: {  	p0 =	sne.s32 s0, $0x0;
	s0 =	rddreg [dreg:$0x2]  }
0x6d: {  	s0 =	sadd.s32 @!p0 $0x100000, s0  }
0x6e: {  	[sflag:s0] =	ssyncadd.tile.s32 @!p0 $0x1;
	_ =	shalt  }
.Lfunc_end2:
_tile_overlayer_lowered:
.L_overlay_start_2:
0x6f: {  	(tag) =	ssettag $0x2  }
0x70: {  	s0 =	rddreg [dreg:$0x0];
	s2 =	stileid.u32  }
0x71: {  	s1 =	rddreg [dreg:$0x1];
	p0 =	sne.s32 s2, $0x0  }
0x72: {  	s3 =	rddreg [dreg:$0x2];
	[bflag:$0x3] =	sbarrier.arrive $0xFFFF;
	s2 =	simm.s32 @!p0 $0x1C02  }
0x73: {  	[timem:s3], [sflag:s2] =	dma.local @!p0 [hbm:s0], s1  }
0x74: {  	s0 =	simm.s32 @!p0 $0x2  }
0x75: {  	_ =	swait.ge @!p0 [sflag:s0], s1  }
0x76: {  	s1 =	ssub.s32 @!p0 $0x0, s1;
	[sflag:s0] =	ssyncset.done @!p0 $0x0  }
0x77: {  	[sflag:s0] =	ssyncadd.s32 @!p0 s1  }
0x78: {  	[bflag:$0x3] =	sbarrier.arrive $0xFFFF  }
0x79: {  	_ =	shalt  }

// kernel: scatter_offload_async_start
scs
__scs_entry_jumppad:
0x0: {  	(pc) =	sbr.rel $0x88, $3  }
0x1: {  	(tag) =	ssettag $0x0;
	lr =	simm.s32 $0x1  }
0x2: {  	[smem:$0x3F9A] =	sst lr;
	_ =	strace $0xD0000000  }
0x3: {  	_ = 	snop  }
0x4: {  	_ = 	snop  }
0x5: {  	_ = 	snop  }
0x6: {  	_ = 	snop  }
0x7: {  	_ = 	snop  }
__scs_overlays_trampoline_lowered:
0x8: {  	[smem:$0x3FA9] =	sst s0  }
0x9: {  	[smem:$0x3FAA] =	sst s1  }
0xa: {  	[smem:$0x3FAB] =	sst s2  }
0xb: {  	[smem:$0x3FAC] =	sst s3  }
0xc: {  	[smem:$0x3FAD] =	sst s4  }
0xd: {  	[smem:$0x3FAE] =	sst s5  }
0xe: {  	[smem:$0x3FAF] =	sst s6  }
0xf: {  	[smem:$0x3FB0] =	sst s7  }
0x10: {  	[smem:$0x3FB1] =	sst s8  }
0x11: {  	[smem:$0x3FB2] =	sst s9;
	s0 =	simm.s32 @!p0 $0x0  }
0x12: {  	s1 =	sld [smem:$0x3F98];
	s0 =	simm.s32 @p0 $0x1  }
0x13: {  	[smem:$0x3FB3] =	sst s0;
	s0 =	simm.s32 @!p1 $0x0  }
0x14: {  	s2 =	sld [smem:$0x3F97];
	s0 =	simm.s32 @p1 $0x1  }
0x15: {  	[smem:$0x3FB4] =	sst s0;
	s0 =	simm.s32 @!p2 $0x0  }
0x16: {  	s3 =	sld [smem:$0x3FDB];
	s0 =	simm.s32 @p2 $0x1  }
0x17: {  	s4 =	simm.s32 $0x1BF5;
	[smem:$0x3FB6] =	sst s0  }
0x18: {  	s0 =	sld [smem:$0x3F99];
	_ =	swait.ge [sflag:s4], $0x0  }
0x19: {  	s7 =	sld [smem:$0x3F9A]  }
0x1a: {  	s8 =	sadd.s32 $0xFFFFE003, lr  }
0x1b: {  	s9 =	sadd.s32 $0xFFFFFEF7, lr;
	s5 =	simm.s32 $0xFFFFFFFF;
	p2 =	slt.u32 s8, $0xFFFFF086  }
0x1c: {  	p1 =	slt.u32 s9, $0xF7A;
	s5 =	simm.s32 @!p2 $0x0  }
0x1d: {  	s5 =	simm.s32 @p1 $0x1;
	p0 =	seq.s32 s7, s2  }
0x1e: {  	s7 =	smul.u32 @!p0 $0xF7A, s2;
	p2 =	seq.s32 @!p0 s5, $0x0  }
0x1f: {  	s9 =	smul.u32 $0xF7A, s1;
	s8 =	simm.s32 @!p0 $0x1BF5;
	p2 =	por !p2, p0  }
0x20: {  	[sflag:s8] =	ssyncset.s32 @!p0 $0xFFFFF086;
	s6 =	sadd.s32 @!p0 s3, s7;
	s7 =	simm.s32 @!p0 $0x108  }
0x21: {  	s3 =	sadd.s32 s3, s9;
	s6 =	sadd.s32 @!p0 $0x88, s6;
	s7 =	simm.s32 @p2 $0x1082  }
0x22: {  	[simem:s7], [sflag:s8] =	dma.local @!p0 [hbm:s6], $0xF7A  }
0x23: {  	s9 =	sor.u32 $0xD0000000, s2;
	s6 =	simm.s32 $0x108;
	_ =	swait.ge @!p0 [sflag:s8], $0x0  }
0x24: {  	s3 =	sadd.s32 $0x88, s3;
	s6 =	simm.s32 @!p1 $0x1082;
	[sflag:s4] =	ssyncset.s32 $0xFFFFF086  }
0x25: {  	[simem:s6], [sflag:s4] =	dma.local [hbm:s3], $0xF7A  }
0x26: {  	[smem:$0x3F9A] =	sst s1;
	(tag) =	ssettag s2;
	_ =	strace s9  }
0x27: {  	s1 =	sld [smem:$0x3FAA]  }
0x28: {  	s2 =	sld [smem:$0x3FAB]  }
0x29: {  	s4 =	sld [smem:$0x3FAD]  }
0x2a: {  	p0 =	seq.s32 s5, $0x0;
	s5 =	sld [smem:$0x3FAE]  }
0x2b: {  	s6 =	sld [smem:$0x3FAF]  }
0x2c: {  	s7 =	sld [smem:$0x3FB0]  }
0x2d: {  	s3 =	simm.s32 $0x108;
	s8 =	sld [smem:$0x3FB1]  }
0x2e: {  	s3 =	simm.s32 @!p0 $0x1082;
	s9 =	sld [smem:$0x3FB2]  }
0x2f: {  	lr =	sadd.s32 s0, s3;
	s0 =	sld [smem:$0x3FA9]  }
0x30: {  	s3 =	sld [smem:$0x3FAC]  }
0x31: {  	[smem:$0x3FB5] =	sst s10  }
0x32: {  	s10 =	sld [smem:$0x3FB3];
	_ =	sdelay $0x3  }
0x33: {  	p0 =	seq.s32 s10, $0x1;
	s10 =	sld [smem:$0x3FB5];
	_ =	sdelay $0x3  }
0x34: {  	[smem:$0x3FB5] =	sst s10  }
0x35: {  	s10 =	sld [smem:$0x3FB4];
	_ =	sdelay $0x3  }
0x36: {  	p1 =	seq.s32 s10, $0x1;
	s10 =	sld [smem:$0x3FB5];
	_ =	sdelay $0x3  }
0x37: {  	[smem:$0x3FB5] =	sst s10  }
0x38: {  	s10 =	sld [smem:$0x3FB6]  }
0x39: {  	_ = 	snop;
	(pc) =	sbr.ind lr, $3  }
0x3a: {  	_ = 	snop  }
0x3b: {  	_ = 	snop  }
0x3c: {  	p2 =	seq.s32 s10, $0x1;
	s10 =	sld [smem:$0x3FB5]  }
0x3d: {  	_ =	shalt  }
0x3e: {  	_ =	shalt  }
0x3f: {  	_ =	shalt  }
0x40: {  	_ =	shalt  }
0x41: {  	_ =	shalt  }
0x42: {  	_ =	shalt  }
0x43: {  	_ =	shalt  }
0x44: {  	_ =	shalt  }
0x45: {  	_ =	shalt  }
0x46: {  	_ =	shalt  }
0x47: {  	_ =	shalt  }
0x48: {  	_ =	shalt  }
0x49: {  	_ =	shalt  }
0x4a: {  	_ =	shalt  }
0x4b: {  	_ =	shalt  }
0x4c: {  	_ =	shalt  }
0x4d: {  	_ =	shalt  }
0x4e: {  	_ =	shalt  }
0x4f: {  	_ =	shalt  }
0x50: {  	_ =	shalt  }
0x51: {  	_ =	shalt  }
0x52: {  	_ =	shalt  }
0x53: {  	_ =	shalt  }
0x54: {  	_ =	shalt  }
0x55: {  	_ =	shalt  }
0x56: {  	_ =	shalt  }
0x57: {  	_ =	shalt  }
0x58: {  	_ =	shalt  }
0x59: {  	_ =	shalt  }
0x5a: {  	_ =	shalt  }
0x5b: {  	_ =	shalt  }
0x5c: {  	_ =	shalt  }
0x5d: {  	_ =	shalt  }
0x5e: {  	_ =	shalt  }
0x5f: {  	_ =	shalt  }
0x60: {  	_ =	shalt  }
0x61: {  	_ =	shalt  }
0x62: {  	_ =	shalt  }
0x63: {  	_ =	shalt  }
0x64: {  	_ =	shalt  }
0x65: {  	_ =	shalt  }
0x66: {  	_ =	shalt  }
0x67: {  	_ =	shalt  }
0x68: {  	_ =	shalt  }
0x69: {  	_ =	shalt  }
0x6a: {  	_ =	shalt  }
0x6b: {  	_ =	shalt  }
0x6c: {  	_ =	shalt  }
0x6d: {  	_ =	shalt  }
0x6e: {  	_ =	shalt  }
0x6f: {  	_ =	shalt  }
0x70: {  	_ =	shalt  }
0x71: {  	_ =	shalt  }
0x72: {  	_ =	shalt  }
0x73: {  	_ =	shalt  }
0x74: {  	_ =	shalt  }
0x75: {  	_ =	shalt  }
0x76: {  	_ =	shalt  }
0x77: {  	_ =	shalt  }
0x78: {  	_ =	shalt  }
0x79: {  	_ =	shalt  }
0x7a: {  	_ =	shalt  }
0x7b: {  	_ =	shalt  }
0x7c: {  	_ =	shalt  }
0x7d: {  	_ =	shalt  }
0x7e: {  	_ =	shalt  }
0x7f: {  	_ =	shalt  }
0x80: {  	_ =	shalt  }
0x81: {  	_ =	shalt  }
0x82: {  	_ =	shalt  }
0x83: {  	_ =	shalt  }
0x84: {  	_ =	shalt  }
0x85: {  	_ =	shalt  }
0x86: {  	_ =	shalt  }
0x87: {  	_ =	shalt  }
.Lfunc_end0:
.L_simem_size_0:
called_computation_lowered:
.L_overlay_start_0:
0x88: {  	s0 =	sld [smem:$0x3FD9]  }
0x89: {  	s1 =	sld [smem:$0x3FFE];
	_ =	sdelay $0x3  }
0x8a: {  	s0 =	sadd.s32 s1, s0  }
0x8b: {  	[smem:$0x3FC1] =	sst s0  }
0x8c: {  	_ = 	snop  }
0x8d: {  	(tm) =	ssettm $0x1  }
0x8e: {  	s15 =	sld [smem:$0x3FFB];
	_ =	sdelay $0x3  }
0x8f: {  	_ =	strace s15  }
0x90: {  	s0 =	sld [smem:$0x3FFC];
	_ =	sdelay $0x3  }
0x91: {  	_ =	strace s0  }
0x92: {  	s0 =	sld [smem:$0x3FFD];
	_ =	sdelay $0x3  }
0x93: {  	_ =	strace s0  }
0x94: {  	_ =	strace $0x8FFFFFFF  }
0x95: {  	s16 =	sld [smem:$0x3FDB];
	_ =	sdelay $0x1  }
0x96: {  	s17 =	simm.s32 $_scs_section_size  }
0x97: {  	s2 =	simm.s32 $_size__tile_overlayer_lowered;
	s3 =	simm.s32 $_tile_overlayer_lowered  }
0x98: {  	s20 =	simm.s32 $0x1BFF;
	s19 =	sshll.u32 s3, $0x1;
	s0 =	sadd.s32 s17, s16  }
0x99: {  	s4 =	simm.s32 $0x0;
	s18 =	sshll.u32 s2, $0x1;
	s2 =	sadd.s32 s19, s0  }
0x9a: {  	[timem:s4], [sflag:s20] =	dma.local [hbm:s2], s18  }
0x9b: {  	_ =	swait.ge [sflag:s20], s18  }
0x9c: {  	s1 =	ssub.s32 $0x0, s18;
	[sflag:s20] =	ssyncset.done $0x0  }
0x9d: {  	[sflag:s20] =	ssyncadd.s32 s1;
	_ =	sdelay $0x1  }
0x9e: {  	s21 =	simm.s32 $0x1B8B  }
0x9f: {  	_ =	swait.ge [sflag:s21], $0x1  }
0xa0: {  	[sflag:s21] =	ssyncset.done $0x0  }
0xa1: {  	s23 =	simm.s32 $0x1B8E;
	s22 =	sld [smem:$0x3FFE];
	[sflag:s21] =	ssyncadd.s32 $0xFFFFFFFF  }
0xa2: {  	s24 =	simm.s32 $execute0_lowered;
	[smem:$0x3FD2] =	sst s23  }
0xa3: {  	s2 =	sshll.u32 s24, $0x1;
	_ =	strace $0x80000046;
	[dreg:$0x1] =	wrdreg $0xFFFFFFFF  }
0xa4: {  	s25 =	simm.s32 $_size_execute0_lowered;
	s0 =	sadd.s32 s0, s2;
	[dreg:$0x0] =	wrdreg $0x0  }
0xa5: {  	s2 =	sshll.u32 s25, $0x1;
	[dreg:$0x2] =	wrdreg s0  }
0xa6: {  	[dreg:$0x3] =	wrdreg s2  }
0xa7: {  	[dreg:$0x4] =	wrdreg $0xC0  }
0xa8: {  	_ =	task [dreg:s4], $0x5FFFF  }
0xa9: {  	[dreg:$0x1] =	wrdreg $0xFFFFFFFF  }
0xaa: {  	[dreg:$0x0] =	wrdreg $0x60  }
0xab: {  	[dreg:$0x2] =	wrdreg s22  }
0xac: {  	[dreg:$0x3] =	wrdreg $0x9  }
0xad: {  	_ =	task.clear_ibuf [dreg:s4], $0x4FFFF;
	_ =	strace $0x90000046  }
0xae: {  	s26 =	simm.s32 $0x9;
	_ =	strace $0x80000048  }
0xaf: {  	_ =	swait.ge [sflag:s26], $0x1  }
0xb0: {  	[sflag:s26] =	ssyncadd.s32 $0xFFFFFFFF  }
0xb1: {  	_ =	strace $0x90000048  }
0xb2: {  	_ =	sfence  }
0xb3: {  	s28 =	sld [smem:$0x0];
	_ =	sdelay $0x1  }
0xb4: {  	s29 =	srdreg.scid  }
0xb5: {  	s30 =	sshll.u32 s29, $0xD;
	s31 =	sshrl.u32 s29, $0x2  }
0xb6: {  	s1 =	sand.u32 $0x1, s29;
	s2 =	sand.u32 $0x4000, s30;
	s0 =	sadd.s32 s31, s28  }
0xb7: {  	s1 =	sor.u32 s2, s1;
	s0 =	sshll.u32 s0, $0x11  }
0xb8: {  	s0 =	sor.u32 s0, s1  }
0xb9: {  	s0 =	sadd.s32 $0x8F2B, s0  }
0xba: {  	[sflag:s0] =	ssyncadd.remote.s32 $0x1  }
0xbb: {  	_ =	sfence.sel $0xFFFF  }
0xbc: {  	[dreg:$0x0] =	wrdreg $0xFFFFFFFF;
	(pc) =	sbr.abs _section_cstart, $3  }
0xbd: {  	[dreg:$0x1] =	wrdreg $0xFFFFFFFF  }
0xbe: {  	_ =	task.clear_ibuf [dreg:s4], $0x2FFFF;
	_ =	strace $0x9FFFFFFF  }
0xbf: {  	(tm) =	ssettm $0x7FFFFFFF  }
tec
execute0_lowered:
.L_overlay_start_1:
0x0: {  	(tag) =	ssettag $0x1  }
0x1: {  	s7 =	rddreg [dreg:$0x0]  }
0x2: {  	s0 =	rddreg [dreg:$0x1]  }
0x3: {  	_ =	strace $0x80000047;
	s3 =	stileid.u32;
	s4 =	simm.s32 $0x3E  }
0x4: {  	s1 =	sadd.s32 $0x152600, s7;
	p0 =	sne.s32 s3, $0x0;
	[sflag:s4] =	ssyncpa.u1 $0x0  }
0x5: {  	s30 =	smin.u32 s3, $0x4;
	s2 =	simm.s32 @!p0 $0x1C3E;
	s5 =	simm.s32 @!p0 $0x0  }
0x6: {  	[spmem:s5], [sflag:s2] =	dma.local @!p0 [hbm:s1], $0x500  }
0x7: {  	s2 =	sadd.s32 s3, s30  }
0x8: {  	p1 =	slt.u32 s3, $0x4;
	s3 =	simm.s32 $0x3E80;
	s2 =	smul.u32 $0x1F40, s2  }
0x9: {  	s3 =	simm.s32 @!p1 $0x1F40  }
0xa: {  	s3 =	sadd.s32 s3, s2  }
0xb: {  	s3 =	smin.u32 s3, $0x27100  }
0xc: {  	s8 =	ssub.s32 s3, s2  }
0xd: {  	p1 =	sgt.s32 s8, $0x0  }
0xe: {  	s8 =	simm.s32 @!p1 $0x0  }
0xf: {  	s5 =	simm.s32 @!p0 $0x3E;
	s31 =	smulhi.u32 $0x10624DD3, s8  }
0x10: {  	_ =	swait.ge @!p0 [sflag:s5], $0x500  }
0x11: {  	s6 =	simm.s32 $0x2;
	[sflag:s5] =	ssyncset.done @!p0 $0x0;
	s9 =	sshrl.u32 s31, $0x9  }
0x12: {  	s11 =	simm.s32 $0x0;
	[sflag:s5] =	ssyncadd.s32 @!p0 $0xFFFFFB00;
	s10 =	smul.u32 $0x1F40, s9  }
.Ltmp0:
0x13: {  	s5 =	sadd.s32 $0x1000, s7;
	[bflag:$0x0] =	sbarrier.arrive $0xFFFF;
	(pc) =	sbr.rel .LBB2_1-.Ltmp0, $4  }
0x14: {  	s7 =	sadd.s32 $0x14D600, s7;
	[sflag:s4] =	ssyncpa.u1 $0x1;
	s4 =	simm.s32 $0x1  }
0x15: {  	[sflag:s4] =	ssyncpa.u1 $0x0;
	p1 =	sne.s32 s8, s10;
	s8 =	simm.s32 $0x1  }
0x16: {  	(ifvalue) =	ssetifvalue $0x2800;
	[sflag:s6] =	ssyncpa.u1 $0x0;
	s8 =	simm.s32 @!p1 $0x0  }
0x17: {  	vm0 =	vmmov $0xffff;
	s10 =	smov.u32 s2;
	s8 =	sadd.s32 s8, s9;
	s9 =	simm.s32 $0x0  }
.LBB2_5:
0x18: {  	p2 =	sne.s32 s11, s8  }
.Ltmp1:
0x19: {  	_ = 	snop;
	(pc) =	sbr.rel @!p2 .LBB2_6-.Ltmp1, $4  }
0x1a: {  	_ = 	snop  }
0x1b: {  	s12 =	sadd.s32 $0x1F40, s10  }
0x1c: {  	s10 =	smov.u32 s2;
	s13 =	sadd.s32 $0x1, s11;
	p1 =	slt.s32 s12, s3  }
0x1d: {  	s11 =	smov.u32 s13;
	s10 =	smov.u32 @p1 s12  }
.LBB2_1:
0x1e: {  	p1 =	sge.u32 s11, s8  }
0x1f: {  	s12 =	sxor.u32 @!p1 $0xFFFFFFFF, s11  }
0x20: {  	s12 =	sand.u32 @!p1 $0x1, s12  }
0x21: {  	s12 =	smul.u32 @!p1 $0x1F40, s12  }
0x22: {  	s13 =	sshrl.u32 @!p1 s10, $0x3  }
0x23: {  	s16 =	sand.u32 @!p1 $0x7, s10;
	s14 =	sadd.s32 @!p1 s5, s13;
	s15 =	sadd.s32 @!p1 $0x280, s12  }
0x24: {  	[tilespmem:s15], [sflag:$0x2] =	stream.linear.gather @!p1 [hbm4b:s14+s16], $0x1F40, $0x38;
	[tilespmem:$0x7F80] =	vst v63  }
0x25: {  	s13 =	sadd.s32 @!p1 s7, s13;
	s12 =	sadd.s32 @!p1 $0x4100, s12  }
0x26: {  	[tilespmem:s12], [sflag:$0x2] =	stream.linear.gather @!p1 [hbm4b:s13+s16], $0x1F40, $0x38;
	[tilespmem:$0x7F80] =	vst v63  }
0x27: {  	p1 =	seq.s32 s11, $0x0  }
.Ltmp2:
0x28: {  	_ = 	snop;
	(pc) =	sbr.rel @p1 .LBB2_5-.Ltmp2, $1  }
0x29: {  	_ =	sdelay $0x3  }
0x2a: {  	s12 =	sand.u32 $0x1, s11  }
0x2b: {  	_ =	swait.ge [sflag:s6], $0x3E80;
	p1 =	seq.s32 s12, $0x1;
	s12 =	simm.s32 $0x1F40  }
0x2c: {  	[sflag:s6] =	ssyncset.done $0x0;
	s12 =	simm.s32 @!p1 $0x0  }
0x2d: {  	[sflag:s6] =	ssyncadd.s32 $0xFFFFC180;
	s14 =	sadd.s32 $0x280, s12  }
0x2e: {  	v0 =	vld.msk [tilespmem:s14+$0x0 ss:$0x1], $0xffff;
	_ =	sdelay $0x4  }
0x2f: {  	v0 =	vmin.u32 v0, $0x2800;
	_ =	sdelay $0x3  }
0x30: {  	s13 =	simm.s32 $0x0;
	s12 =	sadd.s32 $0x4100, s12;
	s14 =	sadd.s32 $0x10, s14  }
0x31: {  	[spmem:s9] =	stream.indirect_vreg.scatter.add.s32 [tilespmem:s12], [sflag:$0x1], $0x1, v0, vm0, $0x4038;
	[tilespmem:$0x7F80] =	vst v63  }
.LBB2_3:
0x32: {  	v0 =	vld.msk [tilespmem:s14+$0x0 ss:$0x1], $0xffff;
	s13 =	sadd.s32 $0x10, s13  }
0x33: {  	p1 =	slt.u32 s13, $0x1F30;
	_ =	sdelay $0x4  }
0x34: {  	v0 =	vmin.u32 v0, $0x2800  }
.Ltmp3:
0x35: {  	(pc) =	sbr.rel @p1 .LBB2_3-.Ltmp3, $3  }
0x36: {  	_ =	sdelay $0x1  }
0x37: {  	s14 =	sadd.s32 $0x10, s14;
	s12 =	sadd.s32 $0x10, s12  }
0x38: {  	[spmem:s9] =	stream.indirect_vreg.scatter.add.s32 [tilespmem:s12], [sflag:$0x1], $0x1, v0, vm0, $0x4038;
	[tilespmem:$0x7F80] =	vst v63  }
.Ltmp4:
0x39: {  	(pc) =	sbr.rel .LBB2_5-.Ltmp4, $4  }
0x3a: {  	_ = 	snop  }
0x3b: {  	_ =	swait.ge [sflag:s4], $0x1F40  }
0x3c: {  	[sflag:s4] =	ssyncset.done $0x0  }
0x3d: {  	[sflag:s4] =	ssyncadd.s32 $0xFFFFE0C0  }
.LBB2_6:
0x3e: {  	_ =	sfence.sel $0x180000  }
0x3f: {  	s2 =	simm.s32 $0x2;
	[bflag:$0x0] =	sbarrier.arrive $0xFFFF  }
0x40: {  	s30 =	simm.s32 $0x1;
	[sflag:s2] =	ssyncpa.u1 $0x1  }
0x41: {  	[sflag:s30] =	ssyncpa.u1 $0x1  }
0x42: {  	_ =	sfence.stream.spmem  }
0x43: {  	s31 =	simm.s32 $0x3D;
	[bflag:$0x0] =	sbarrier.arrive $0xFFFF  }
0x44: {  	s2 =	simm.s32 @p0 $0x3D;
	[sflag:s31] =	ssyncpa.u1 $0x0  }
0x45: {  	[sflag:s2] =	ssyncpa.u1 @p0 $0x1  }
0x46: {  	[bflag:$0x0] =	sbarrier.arrive @p0 $0xFFFF  }
0x47: {  	_ =	strace @p0 $0x90000047  }
0x48: {  	s3 =	simm.s32 @!p0 $0x1C3D;
	s2 =	simm.s32 @!p0 $0x0;
	[bflag:$0x2] =	sbarrier.arrive @p0 $0xFFFF  }
0x49: {  	[hbm:s1], [sflag:s3] =	dma.local @!p0 [spmem:s2], $0x500  }
0x4a: {  	s1 =	simm.s32 @!p0 $0x3D  }
0x4b: {  	_ =	swait.ge @!p0 [sflag:s1], $0x500  }
0x4c: {  	[sflag:s1] =	ssyncset.done @!p0 $0x0  }
0x4d: {  	[sflag:s1] =	ssyncadd.s32 @!p0 $0xFFFFFB00  }
0x4e: {  	[sflag:s1] =	ssyncpa.u1 @!p0 $0x1  }
0x4f: {  	[bflag:$0x0] =	sbarrier.arrive @!p0 $0xFFFF  }
0x50: {  	_ =	strace @!p0 $0x90000047  }
0x51: {  	s0 =	sadd.s32 @!p0 $0x100000, s0;
	[bflag:$0x2] =	sbarrier.arrive @!p0 $0xFFFF  }
0x52: {  	[sflag:s0] =	ssyncadd.tile.s32 @!p0 $0x1;
	_ =	shalt  }
.Lfunc_end2:
_tile_overlayer_lowered:
.L_overlay_start_2:
0x53: {  	(tag) =	ssettag $0x2  }
0x54: {  	s0 =	rddreg [dreg:$0x0];
	s2 =	stileid.u32  }
0x55: {  	s1 =	rddreg [dreg:$0x1];
	p0 =	sne.s32 s2, $0x0  }
0x56: {  	s3 =	rddreg [dreg:$0x2];
	[bflag:$0x3] =	sbarrier.arrive $0xFFFF;
	s2 =	simm.s32 @!p0 $0x1C01  }
0x57: {  	[timem:s3], [sflag:s2] =	dma.local @!p0 [hbm:s0], s1  }
0x58: {  	s0 =	simm.s32 @!p0 $0x1  }
0x59: {  	_ =	swait.ge @!p0 [sflag:s0], s1  }
0x5a: {  	s1 =	ssub.s32 @!p0 $0x0, s1;
	[sflag:s0] =	ssyncset.done @!p0 $0x0  }
0x5b: {  	[sflag:s0] =	ssyncadd.s32 @!p0 s1  }
0x5c: {  	[bflag:$0x3] =	sbarrier.arrive $0xFFFF  }
0x5d: {  	_ =	shalt  }

</sc_bundles>
